<compile_context>
chip_gen: v7x
topology: tpu7x:2x2x1
jax: 0.10.2.dev20260603
libtpu: 0.0.44.dev20260713+nightly
codegen_flags: <defaults>
</compile_context>

<pallas_src>
import functools

import jax
import jax.numpy as jnp
from jax import lax
from jax.experimental import pallas as pl
from jax.experimental.pallas import tpu as pltpu
from jax.experimental.pallas import tpu_sc as plsc

B = 16384
D = 128
H = 128
NC = 2
NS = 16
NW = NC * NS
SLICES = (B,)
C = 128
NSLOT = 2
AHEAD = 1


def _gather_mul_body(bpw, offset, uid_hbm, iid_hbm, utab_hbm, itab_hbm, out_hbm,
                     uidx, iidx, *rest):
    nchunk = bpw // C
    ubufs = rest[0:NSLOT]
    ibufs = rest[NSLOT:2 * NSLOT]
    rest = rest[2 * NSLOT:]
    sem_idx = rest[0]
    gsems = rest[1:1 + NSLOT]
    wsems = rest[1 + NSLOT:]
    wid = lax.axis_index("s") * NC + lax.axis_index("c")
    base = offset + wid * bpw

    cu_idx = pltpu.make_async_copy(uid_hbm.at[pl.ds(base, bpw)], uidx, sem_idx)
    ci_idx = pltpu.make_async_copy(iid_hbm.at[pl.ds(base, bpw)], iidx, sem_idx)
    cu_idx.start()
    ci_idx.start()
    cu_idx.wait()
    ci_idx.wait()

    def fire_gather(c):
        s = c % NSLOT
        g_u = pltpu.make_async_copy(
            utab_hbm.at[uidx.at[pl.ds(c * C, C)]], ubufs[s], gsems[s])
        g_i = pltpu.make_async_copy(
            itab_hbm.at[iidx.at[pl.ds(c * C, C)]], ibufs[s], gsems[s])
        g_u.start()
        g_i.start()
        return g_u, g_i

    writes = [None] * NSLOT
    pend = [fire_gather(c) for c in range(min(AHEAD, nchunk))]
    for c in range(nchunk):
        s = c % NSLOT
        nx = c + AHEAD
        if nx < nchunk:
            if writes[nx % NSLOT] is not None:
                writes[nx % NSLOT].wait()
                writes[nx % NSLOT] = None
            pend.append(fire_gather(nx))
        pend[c][0].wait()
        pend[c][1].wait()

        urows, irows = ubufs[s], ibufs[s]

        def mul_row(i, carry):
            for j in range(D // 16):
                sl = pl.ds(j * 16, 16)
                urows[i, sl] = urows[i, sl] * irows[i, sl]
            return carry

        lax.fori_loop(0, C, mul_row, 0)
        w = pltpu.make_async_copy(
            urows, out_hbm.at[pl.ds(base - offset + c * C, C)], wsems[s])
        w.start()
        writes[s] = w
    for w in writes:
        if w is not None:
            w.wait()


@functools.cache
def _gather_mul_fn(n_rows, offset):
    mesh = plsc.VectorSubcoreMesh(core_axis_name="c", subcore_axis_name="s")
    return pl.kernel(
        functools.partial(_gather_mul_body, n_rows // NW, offset),
        mesh=mesh,
        out_type=jax.ShapeDtypeStruct((n_rows, D), jnp.float32),
        scratch_types=(
            [pltpu.VMEM((n_rows // NW,), jnp.int32)] * 2
            + [pltpu.VMEM((C, D), jnp.float32)] * (2 * NSLOT)
            + [pltpu.SemaphoreType.DMA] * (1 + 2 * NSLOT)
        ),
    )


def _mlp_body(x_ref, w1t_ref, b1_ref, w2_ref, b2_ref, o_ref):
    xt = x_ref[...].T
    ht = jnp.dot(w1t_ref[...], xt, preferred_element_type=jnp.float32)
    ht = jnp.maximum(ht + b1_ref[...], 0.0)
    z = jnp.dot(w2_ref[...], ht, preferred_element_type=jnp.float32) + b2_ref[0]
    o_ref[...] = 1.0 / (1.0 + jnp.exp(-z))


def _mlp(x, W1t, b1c, W2r, b2):
    n_rows = x.shape[0]
    BT = 2048
    return pl.pallas_call(
        _mlp_body,
        grid=(n_rows // BT,),
        in_specs=[
            pl.BlockSpec((BT, D), lambda i: (i, 0)),
            pl.BlockSpec((D, H), lambda i: (0, 0)),
            pl.BlockSpec((H, 1), lambda i: (0, 0)),
            pl.BlockSpec((1, H), lambda i: (0, 0)),
            pl.BlockSpec(memory_space=pltpu.SMEM),
        ],
        out_specs=pl.BlockSpec((1, BT), lambda i: (0, i)),
        out_shape=jax.ShapeDtypeStruct((1, n_rows), jnp.float32),
    )(x, W1t, b1c, W2r, b2)


def kernel(user_id, item_id, user_table, item_table, W1, b1, W2, b2):
    uid = user_id.reshape(B).astype(jnp.int32)
    iid = item_id.reshape(B).astype(jnp.int32)
    W1t = W1.T
    b1c = b1.reshape(H, 1)
    W2r = W2.reshape(1, H)
    outs = []
    off = 0
    for n_rows in SLICES:
        x_s = _gather_mul_fn(n_rows, off)(uid, iid, user_table, item_table)
        outs.append(_mlp(x_s, W1t, b1c, W2r, b2))
        off += n_rows
    out = outs[0] if len(SLICES) == 1 else jnp.concatenate(outs, axis=1)
    return out.reshape(B, 1, 1)

# --- scband reference (transcript-rebuilt; emitter-appended) ---
"""Pipeline reference for scband-gsasrec-75548474736937 (READ-ONLY COPY).

The authoritative reference and input builder live on the scoring server;
editing this copy changes nothing except your own understanding.
"""

import jax, jax.numpy as jnp
import numpy as np

B = 16384
NUM_USERS = 100000
NUM_ITEMS = 100000
D = 128
H = 128


def setup_inputs(seed: int = 0) -> dict:
    key = jax.random.key(seed)
    ks = jax.random.split(key, 8)
    user_id = jax.random.randint(ks[0], (B, 1), 0, NUM_USERS, dtype=jnp.int64 if jax.config.jax_enable_x64 else jnp.int32)
    item_id = jax.random.randint(ks[1], (B, 1), 0, NUM_ITEMS, dtype=jnp.int64 if jax.config.jax_enable_x64 else jnp.int32)
    user_table = jax.random.normal(ks[2], (NUM_USERS, D), dtype=jnp.float32) * 0.02
    item_table = jax.random.normal(ks[3], (NUM_ITEMS, D), dtype=jnp.float32) * 0.02
    W1 = jax.random.normal(ks[4], (D, H), dtype=jnp.float32) * (1.0 / np.sqrt(D))
    b1 = jnp.zeros((H,), dtype=jnp.float32)
    W2 = jax.random.normal(ks[5], (H, 1), dtype=jnp.float32) * (1.0 / np.sqrt(H))
    b2 = jnp.zeros((1,), dtype=jnp.float32)
    return {"user_id": user_id, "item_id": item_id, "user_table": user_table, "item_table": item_table, "W1": W1, "b1": b1, "W2": W2, "b2": b2}


def reference(user_id, item_id, user_table, item_table, W1, b1, W2, b2):
    # user_embedding / item_embedding lookups (Keras Embedding, input_length=1)
    ue = jnp.take(user_table, user_id, axis=0)  # (B, 1, D)
    ie = jnp.take(item_table, item_id, axis=0)  # (B, 1, D)
    x = ue * ie                                 # elementwise interaction
    x = jax.nn.relu(jnp.dot(x, W1) + b1)        # Dense(128, relu)
    out = jax.nn.sigmoid(jnp.dot(x, W2) + b2)   # Dense(1, sigmoid)
    return out  # (B, 1, 1)

if __name__ == "__main__":
    import jax
    _d = setup_inputs()
    print(jax.jit(kernel)(*tuple(_d.values())))

</pallas_src>

<mosaic_0001>
#map = affine_map<(d0, d1) -> (0)>
#map1 = affine_map<(d0, d1) -> (0, 0)>
module attributes {stable_mosaic.version = 14 : i64} {
  func.func @_gather_mul_body(%arg0: i32, %arg1: i32, %arg2: memref<16384xi32, #tpu.memory_space<hbm>>, %arg3: memref<16384xi32, #tpu.memory_space<hbm>>, %arg4: memref<100000x128xf32, #tpu.memory_space<hbm>>, %arg5: memref<100000x128xf32, #tpu.memory_space<hbm>>, %arg6: memref<16384x128xf32, #tpu.memory_space<hbm>>, %arg7: memref<512xi32, #tpu.memory_space<vmem>>, %arg8: memref<512xi32, #tpu.memory_space<vmem>>, %arg9: memref<128x128xf32, #tpu.memory_space<vmem>>, %arg10: memref<128x128xf32, #tpu.memory_space<vmem>>, %arg11: memref<128x128xf32, #tpu.memory_space<vmem>>, %arg12: memref<128x128xf32, #tpu.memory_space<vmem>>, %arg13: memref<!tpu.dma_semaphore, #tpu.memory_space<semaphore_mem>>, %arg14: memref<!tpu.dma_semaphore, #tpu.memory_space<semaphore_mem>>, %arg15: memref<!tpu.dma_semaphore, #tpu.memory_space<semaphore_mem>>, %arg16: memref<!tpu.dma_semaphore, #tpu.memory_space<semaphore_mem>>, %arg17: memref<!tpu.dma_semaphore, #tpu.memory_space<semaphore_mem>>) attributes {dimension_semantics = [#tpu.dimension_semantics<core_parallel>, #tpu.dimension_semantics<subcore_parallel>], iteration_bounds = array<i64: 2, 16>, scalar_prefetch = 0 : i64, scratch_operands = 11 : i64, tpu.core_type = #tpu.core_type<sc_vector_subcore>, window_params = [{transform_indices = #map}, {transform_indices = #map}, {transform_indices = #map1}, {transform_indices = #map1}, {transform_indices = #map1}]} {
    %mul3A = arith.constant 2 : i32
    %mul3A_0 = arith.muli %arg1, %mul3A : i32
    %add3A = arith.addi %mul3A_0, %arg0 : i32
    %mul3A_1 = arith.constant 512 : i32
    %mul3A_2 = arith.muli %add3A, %mul3A_1 : i32
    %add3A_3 = arith.constant 0 : i32
    %add3A_4 = arith.addi %add3A_3, %mul3A_2 : i32
    %dma_start3A = tpu.memref_slice %arg2[%add3A_4] : memref<16384xi32, #tpu.memory_space<hbm>> -> memref<512xi32, #tpu.memory_space<hbm>>
    %dma_start3A_5 = tpu.memref_slice %arg2[%add3A_4] : memref<16384xi32, #tpu.memory_space<hbm>> -> memref<512xi32, #tpu.memory_space<hbm>>
    tpu.enqueue_dma source(%dma_start3A_5 : memref<512xi32, #tpu.memory_space<hbm>>) target(%arg7 : memref<512xi32, #tpu.memory_space<vmem>>) target_semaphore(%arg13 : memref<!tpu.dma_semaphore, #tpu.memory_space<semaphore_mem>>)
    %dma_start3A_6 = tpu.memref_slice %arg3[%add3A_4] : memref<16384xi32, #tpu.memory_space<hbm>> -> memref<512xi32, #tpu.memory_space<hbm>>
    %dma_start3A_7 = tpu.memref_slice %arg3[%add3A_4] : memref<16384xi32, #tpu.memory_space<hbm>> -> memref<512xi32, #tpu.memory_space<hbm>>
    tpu.enqueue_dma source(%dma_start3A_7 : memref<512xi32, #tpu.memory_space<hbm>>) target(%arg8 : memref<512xi32, #tpu.memory_space<vmem>>) target_semaphore(%arg13 : memref<!tpu.dma_semaphore, #tpu.memory_space<semaphore_mem>>)
    %dma_wait3A = tpu.memref_slice %arg2[%add3A_4] : memref<16384xi32, #tpu.memory_space<hbm>> -> memref<512xi32, #tpu.memory_space<hbm>>
    %dma_wait3A_8 = tpu.memref_slice %arg2[%add3A_4] : memref<16384xi32, #tpu.memory_space<hbm>> -> memref<512xi32, #tpu.memory_space<hbm>>
    tpu.wait_dma2 semaphore(%arg13 : memref<!tpu.dma_semaphore, #tpu.memory_space<semaphore_mem>>) src(%dma_wait3A_8 : memref<512xi32, #tpu.memory_space<hbm>>) dst(%arg7 : memref<512xi32, #tpu.memory_space<vmem>>)
    %dma_wait3A_9 = tpu.memref_slice %arg3[%add3A_4] : memref<16384xi32, #tpu.memory_space<hbm>> -> memref<512xi32, #tpu.memory_space<hbm>>
    %dma_wait3A_10 = tpu.memref_slice %arg3[%add3A_4] : memref<16384xi32, #tpu.memory_space<hbm>> -> memref<512xi32, #tpu.memory_space<hbm>>
    tpu.wait_dma2 semaphore(%arg13 : memref<!tpu.dma_semaphore, #tpu.memory_space<semaphore_mem>>) src(%dma_wait3A_10 : memref<512xi32, #tpu.memory_space<hbm>>) dst(%arg8 : memref<512xi32, #tpu.memory_space<vmem>>)
    %dma_start3A_11 = arith.constant 0 : i32
    %dma_start3A_12 = tpu.memref_slice %arg7[%dma_start3A_11] : memref<512xi32, #tpu.memory_space<vmem>> -> memref<128xi32, #tpu.memory_space<vmem>>
    %dma_start3A_13 = arith.constant 0 : i32
    %dma_start3A_14 = arith.constant 0 : i32
    %dma_start3A_15 = tpu.memref_slice %arg4[%dma_start3A_13, %dma_start3A_14] : memref<100000x128xf32, #tpu.memory_space<hbm>> -> memref<100000x128xf32, #tpu.memory_space<hbm>>
    tpu.enqueue_indirect_dma source(%dma_start3A_15 : memref<100000x128xf32, #tpu.memory_space<hbm>>) target(%arg9 : memref<128x128xf32, #tpu.memory_space<vmem>>) offsets(%dma_start3A_12 : memref<128xi32, #tpu.memory_space<vmem>>) semaphore(%arg14 : memref<!tpu.dma_semaphore, #tpu.memory_space<semaphore_mem>>)
    %dma_start3A_16 = arith.constant 0 : i32
    %dma_start3A_17 = tpu.memref_slice %arg8[%dma_start3A_16] : memref<512xi32, #tpu.memory_space<vmem>> -> memref<128xi32, #tpu.memory_space<vmem>>
    %dma_start3A_18 = arith.constant 0 : i32
    %dma_start3A_19 = arith.constant 0 : i32
    %dma_start3A_20 = tpu.memref_slice %arg5[%dma_start3A_18, %dma_start3A_19] : memref<100000x128xf32, #tpu.memory_space<hbm>> -> memref<100000x128xf32, #tpu.memory_space<hbm>>
    tpu.enqueue_indirect_dma source(%dma_start3A_20 : memref<100000x128xf32, #tpu.memory_space<hbm>>) target(%arg11 : memref<128x128xf32, #tpu.memory_space<vmem>>) offsets(%dma_start3A_17 : memref<128xi32, #tpu.memory_space<vmem>>) semaphore(%arg14 : memref<!tpu.dma_semaphore, #tpu.memory_space<semaphore_mem>>)
    %dma_start3A_21 = arith.constant 128 : i32
    %dma_start3A_22 = tpu.memref_slice %arg7[%dma_start3A_21] : memref<512xi32, #tpu.memory_space<vmem>> -> memref<128xi32, #tpu.memory_space<vmem>>
    %dma_start3A_23 = arith.constant 0 : i32
    %dma_start3A_24 = arith.constant 0 : i32
    %dma_start3A_25 = tpu.memref_slice %arg4[%dma_start3A_23, %dma_start3A_24] : memref<100000x128xf32, #tpu.memory_space<hbm>> -> memref<100000x128xf32, #tpu.memory_space<hbm>>
    tpu.enqueue_indirect_dma source(%dma_start3A_25 : memref<100000x128xf32, #tpu.memory_space<hbm>>) target(%arg10 : memref<128x128xf32, #tpu.memory_space<vmem>>) offsets(%dma_start3A_22 : memref<128xi32, #tpu.memory_space<vmem>>) semaphore(%arg15 : memref<!tpu.dma_semaphore, #tpu.memory_space<semaphore_mem>>)
    %dma_start3A_26 = arith.constant 128 : i32
    %dma_start3A_27 = tpu.memref_slice %arg8[%dma_start3A_26] : memref<512xi32, #tpu.memory_space<vmem>> -> memref<128xi32, #tpu.memory_space<vmem>>
    %dma_start3A_28 = arith.constant 0 : i32
    %dma_start3A_29 = arith.constant 0 : i32
    %dma_start3A_30 = tpu.memref_slice %arg5[%dma_start3A_28, %dma_start3A_29] : memref<100000x128xf32, #tpu.memory_space<hbm>> -> memref<100000x128xf32, #tpu.memory_space<hbm>>
    tpu.enqueue_indirect_dma source(%dma_start3A_30 : memref<100000x128xf32, #tpu.memory_space<hbm>>) target(%arg12 : memref<128x128xf32, #tpu.memory_space<vmem>>) offsets(%dma_start3A_27 : memref<128xi32, #tpu.memory_space<vmem>>) semaphore(%arg15 : memref<!tpu.dma_semaphore, #tpu.memory_space<semaphore_mem>>)
    %dma_wait3A_31 = arith.constant 0 : i32
    %dma_wait3A_32 = tpu.memref_slice %arg7[%dma_wait3A_31] : memref<512xi32, #tpu.memory_space<vmem>> -> memref<128xi32, #tpu.memory_space<vmem>>
    %dma_wait3A_33 = arith.constant 0 : i32
    %dma_wait3A_34 = arith.constant 0 : i32
    %dma_wait3A_35 = tpu.memref_slice %arg4[%dma_wait3A_33, %dma_wait3A_34] : memref<100000x128xf32, #tpu.memory_space<hbm>> -> memref<100000x128xf32, #tpu.memory_space<hbm>>
    tpu.wait_indirect_dma semaphore(%arg14 : memref<!tpu.dma_semaphore, #tpu.memory_space<semaphore_mem>>) src(%dma_wait3A_35 : memref<100000x128xf32, #tpu.memory_space<hbm>>) dst(%arg9 : memref<128x128xf32, #tpu.memory_space<vmem>>)
    %dma_wait3A_36 = arith.constant 0 : i32
    %dma_wait3A_37 = tpu.memref_slice %arg8[%dma_wait3A_36] : memref<512xi32, #tpu.memory_space<vmem>> -> memref<128xi32, #tpu.memory_space<vmem>>
    %dma_wait3A_38 = arith.constant 0 : i32
    %dma_wait3A_39 = arith.constant 0 : i32
    %dma_wait3A_40 = tpu.memref_slice %arg5[%dma_wait3A_38, %dma_wait3A_39] : memref<100000x128xf32, #tpu.memory_space<hbm>> -> memref<100000x128xf32, #tpu.memory_space<hbm>>
    tpu.wait_indirect_dma semaphore(%arg14 : memref<!tpu.dma_semaphore, #tpu.memory_space<semaphore_mem>>) src(%dma_wait3A_40 : memref<100000x128xf32, #tpu.memory_space<hbm>>) dst(%arg11 : memref<128x128xf32, #tpu.memory_space<vmem>>)
    %scan3A = arith.constant 0 : i32
    %scan3A_41 = arith.constant 0 : i32
    %scan3A_42 = arith.constant 128 : i32
    %scan3A_43 = arith.addi %scan3A_41, %scan3A_42 : i32
    %scan3A_44 = arith.constant 1 : i32
    scf.for %scan3A_161 = %scan3A_41 to %scan3A_43 step %scan3A_44  : i32 {
      %get3A = arith.index_cast %scan3A_161 : i32 to index
      %get3A_162 = arith.constant 0 : index
      %get3A_163 = tpu.vector_load %arg9[%get3A, %get3A_162] {strides = array<i32>} : memref<128x128xf32, #tpu.memory_space<vmem>>, vector<1x16xf32>,
      %get3A_164 = vector.shape_cast %get3A_163 : vector<1x16xf32> to vector<16xf32>
      %get3A_165 = arith.index_cast %scan3A_161 : i32 to index
      %get3A_166 = arith.constant 0 : index
      %get3A_167 = tpu.vector_load %arg11[%get3A_165, %get3A_166] {strides = array<i32>} : memref<128x128xf32, #tpu.memory_space<vmem>>, vector<1x16xf32>,
      %get3A_168 = vector.shape_cast %get3A_167 : vector<1x16xf32> to vector<16xf32>
      %mul3A_169 = arith.mulf %get3A_164, %get3A_168 : vector<16xf32>
      %swap3A = arith.index_cast %scan3A_161 : i32 to index
      %swap3A_170 = arith.constant 0 : index
      %swap3A_171 = tpu.vector_load %arg9[%swap3A, %swap3A_170] {strides = array<i32>} : memref<128x128xf32, #tpu.memory_space<vmem>>, vector<1x16xf32>,
      %swap3A_172 = vector.shape_cast %swap3A_171 : vector<1x16xf32> to vector<16xf32>
      %swap3A_173 = vector.shape_cast %mul3A_169 : vector<16xf32> to vector<1x16xf32>
      tpu.vector_store %arg9[%swap3A, %swap3A_170], %swap3A_173 {strides = array<i32>} : memref<128x128xf32, #tpu.memory_space<vmem>>, vector<1x16xf32>,
      %get3A_174 = arith.index_cast %scan3A_161 : i32 to index
      %get3A_175 = arith.constant 16 : index
      %get3A_176 = tpu.vector_load %arg9[%get3A_174, %get3A_175] {strides = array<i32>} : memref<128x128xf32, #tpu.memory_space<vmem>>, vector<1x16xf32>,
      %get3A_177 = vector.shape_cast %get3A_176 : vector<1x16xf32> to vector<16xf32>
      %get3A_178 = arith.index_cast %scan3A_161 : i32 to index
      %get3A_179 = arith.constant 16 : index
      %get3A_180 = tpu.vector_load %arg11[%get3A_178, %get3A_179] {strides = array<i32>} : memref<128x128xf32, #tpu.memory_space<vmem>>, vector<1x16xf32>,
      %get3A_181 = vector.shape_cast %get3A_180 : vector<1x16xf32> to vector<16xf32>
      %mul3A_182 = arith.mulf %get3A_177, %get3A_181 : vector<16xf32>
      %swap3A_183 = arith.index_cast %scan3A_161 : i32 to index
      %swap3A_184 = arith.constant 16 : index
      %swap3A_185 = tpu.vector_load %arg9[%swap3A_183, %swap3A_184] {strides = array<i32>} : memref<128x128xf32, #tpu.memory_space<vmem>>, vector<1x16xf32>,
      %swap3A_186 = vector.shape_cast %swap3A_185 : vector<1x16xf32> to vector<16xf32>
      %swap3A_187 = vector.shape_cast %mul3A_182 : vector<16xf32> to vector<1x16xf32>
      tpu.vector_store %arg9[%swap3A_183, %swap3A_184], %swap3A_187 {strides = array<i32>} : memref<128x128xf32, #tpu.memory_space<vmem>>, vector<1x16xf32>,
      %get3A_188 = arith.index_cast %scan3A_161 : i32 to index
      %get3A_189 = arith.constant 32 : index
      %get3A_190 = tpu.vector_load %arg9[%get3A_188, %get3A_189] {strides = array<i32>} : memref<128x128xf32, #tpu.memory_space<vmem>>, vector<1x16xf32>,
      %get3A_191 = vector.shape_cast %get3A_190 : vector<1x16xf32> to vector<16xf32>
      %get3A_192 = arith.index_cast %scan3A_161 : i32 to index
      %get3A_193 = arith.constant 32 : index
      %get3A_194 = tpu.vector_load %arg11[%get3A_192, %get3A_193] {strides = array<i32>} : memref<128x128xf32, #tpu.memory_space<vmem>>, vector<1x16xf32>,
      %get3A_195 = vector.shape_cast %get3A_194 : vector<1x16xf32> to vector<16xf32>
      %mul3A_196 = arith.mulf %get3A_191, %get3A_195 : vector<16xf32>
      %swap3A_197 = arith.index_cast %scan3A_161 : i32 to index
      %swap3A_198 = arith.constant 32 : index
      %swap3A_199 = tpu.vector_load %arg9[%swap3A_197, %swap3A_198] {strides = array<i32>} : memref<128x128xf32, #tpu.memory_space<vmem>>, vector<1x16xf32>,
      %swap3A_200 = vector.shape_cast %swap3A_199 : vector<1x16xf32> to vector<16xf32>
      %swap3A_201 = vector.shape_cast %mul3A_196 : vector<16xf32> to vector<1x16xf32>
      tpu.vector_store %arg9[%swap3A_197, %swap3A_198], %swap3A_201 {strides = array<i32>} : memref<128x128xf32, #tpu.memory_space<vmem>>, vector<1x16xf32>,
      %get3A_202 = arith.index_cast %scan3A_161 : i32 to index
      %get3A_203 = arith.constant 48 : index
      %get3A_204 = tpu.vector_load %arg9[%get3A_202, %get3A_203] {strides = array<i32>} : memref<128x128xf32, #tpu.memory_space<vmem>>, vector<1x16xf32>,
      %get3A_205 = vector.shape_cast %get3A_204 : vector<1x16xf32> to vector<16xf32>
      %get3A_206 = arith.index_cast %scan3A_161 : i32 to index
      %get3A_207 = arith.constant 48 : index
      %get3A_208 = tpu.vector_load %arg11[%get3A_206, %get3A_207] {strides = array<i32>} : memref<128x128xf32, #tpu.memory_space<vmem>>, vector<1x16xf32>,
      %get3A_209 = vector.shape_cast %get3A_208 : vector<1x16xf32> to vector<16xf32>
      %mul3A_210 = arith.mulf %get3A_205, %get3A_209 : vector<16xf32>
      %swap3A_211 = arith.index_cast %scan3A_161 : i32 to index
      %swap3A_212 = arith.constant 48 : index
      %swap3A_213 = tpu.vector_load %arg9[%swap3A_211, %swap3A_212] {strides = array<i32>} : memref<128x128xf32, #tpu.memory_space<vmem>>, vector<1x16xf32>,
      %swap3A_214 = vector.shape_cast %swap3A_213 : vector<1x16xf32> to vector<16xf32>
      %swap3A_215 = vector.shape_cast %mul3A_210 : vector<16xf32> to vector<1x16xf32>
      tpu.vector_store %arg9[%swap3A_211, %swap3A_212], %swap3A_215 {strides = array<i32>} : memref<128x128xf32, #tpu.memory_space<vmem>>, vector<1x16xf32>,
      %get3A_216 = arith.index_cast %scan3A_161 : i32 to index
      %get3A_217 = arith.constant 64 : index
      %get3A_218 = tpu.vector_load %arg9[%get3A_216, %get3A_217] {strides = array<i32>} : memref<128x128xf32, #tpu.memory_space<vmem>>, vector<1x16xf32>,
      %get3A_219 = vector.shape_cast %get3A_218 : vector<1x16xf32> to vector<16xf32>
      %get3A_220 = arith.index_cast %scan3A_161 : i32 to index
      %get3A_221 = arith.constant 64 : index
      %get3A_222 = tpu.vector_load %arg11[%get3A_220, %get3A_221] {strides = array<i32>} : memref<128x128xf32, #tpu.memory_space<vmem>>, vector<1x16xf32>,
      %get3A_223 = vector.shape_cast %get3A_222 : vector<1x16xf32> to vector<16xf32>
      %mul3A_224 = arith.mulf %get3A_219, %get3A_223 : vector<16xf32>
      %swap3A_225 = arith.index_cast %scan3A_161 : i32 to index
      %swap3A_226 = arith.constant 64 : index
      %swap3A_227 = tpu.vector_load %arg9[%swap3A_225, %swap3A_226] {strides = array<i32>} : memref<128x128xf32, #tpu.memory_space<vmem>>, vector<1x16xf32>,
      %swap3A_228 = vector.shape_cast %swap3A_227 : vector<1x16xf32> to vector<16xf32>
      %swap3A_229 = vector.shape_cast %mul3A_224 : vector<16xf32> to vector<1x16xf32>
      tpu.vector_store %arg9[%swap3A_225, %swap3A_226], %swap3A_229 {strides = array<i32>} : memref<128x128xf32, #tpu.memory_space<vmem>>, vector<1x16xf32>,
      %get3A_230 = arith.index_cast %scan3A_161 : i32 to index
      %get3A_231 = arith.constant 80 : index
      %get3A_232 = tpu.vector_load %arg9[%get3A_230, %get3A_231] {strides = array<i32>} : memref<128x128xf32, #tpu.memory_space<vmem>>, vector<1x16xf32>,
      %get3A_233 = vector.shape_cast %get3A_232 : vector<1x16xf32> to vector<16xf32>
      %get3A_234 = arith.index_cast %scan3A_161 : i32 to index
      %get3A_235 = arith.constant 80 : index
      %get3A_236 = tpu.vector_load %arg11[%get3A_234, %get3A_235] {strides = array<i32>} : memref<128x128xf32, #tpu.memory_space<vmem>>, vector<1x16xf32>,
      %get3A_237 = vector.shape_cast %get3A_236 : vector<1x16xf32> to vector<16xf32>
      %mul3A_238 = arith.mulf %get3A_233, %get3A_237 : vector<16xf32>
      %swap3A_239 = arith.index_cast %scan3A_161 : i32 to index
      %swap3A_240 = arith.constant 80 : index
      %swap3A_241 = tpu.vector_load %arg9[%swap3A_239, %swap3A_240] {strides = array<i32>} : memref<128x128xf32, #tpu.memory_space<vmem>>, vector<1x16xf32>,
      %swap3A_242 = vector.shape_cast %swap3A_241 : vector<1x16xf32> to vector<16xf32>
      %swap3A_243 = vector.shape_cast %mul3A_238 : vector<16xf32> to vector<1x16xf32>
      tpu.vector_store %arg9[%swap3A_239, %swap3A_240], %swap3A_243 {strides = array<i32>} : memref<128x128xf32, #tpu.memory_space<vmem>>, vector<1x16xf32>,
      %get3A_244 = arith.index_cast %scan3A_161 : i32 to index
      %get3A_245 = arith.constant 96 : index
      %get3A_246 = tpu.vector_load %arg9[%get3A_244, %get3A_245] {strides = array<i32>} : memref<128x128xf32, #tpu.memory_space<vmem>>, vector<1x16xf32>,
      %get3A_247 = vector.shape_cast %get3A_246 : vector<1x16xf32> to vector<16xf32>
      %get3A_248 = arith.index_cast %scan3A_161 : i32 to index
      %get3A_249 = arith.constant 96 : index
      %get3A_250 = tpu.vector_load %arg11[%get3A_248, %get3A_249] {strides = array<i32>} : memref<128x128xf32, #tpu.memory_space<vmem>>, vector<1x16xf32>,
      %get3A_251 = vector.shape_cast %get3A_250 : vector<1x16xf32> to vector<16xf32>
      %mul3A_252 = arith.mulf %get3A_247, %get3A_251 : vector<16xf32>
      %swap3A_253 = arith.index_cast %scan3A_161 : i32 to index
      %swap3A_254 = arith.constant 96 : index
      %swap3A_255 = tpu.vector_load %arg9[%swap3A_253, %swap3A_254] {strides = array<i32>} : memref<128x128xf32, #tpu.memory_space<vmem>>, vector<1x16xf32>,
      %swap3A_256 = vector.shape_cast %swap3A_255 : vector<1x16xf32> to vector<16xf32>
      %swap3A_257 = vector.shape_cast %mul3A_252 : vector<16xf32> to vector<1x16xf32>
      tpu.vector_store %arg9[%swap3A_253, %swap3A_254], %swap3A_257 {strides = array<i32>} : memref<128x128xf32, #tpu.memory_space<vmem>>, vector<1x16xf32>,
      %get3A_258 = arith.index_cast %scan3A_161 : i32 to index
      %get3A_259 = arith.constant 112 : index
      %get3A_260 = tpu.vector_load %arg9[%get3A_258, %get3A_259] {strides = array<i32>} : memref<128x128xf32, #tpu.memory_space<vmem>>, vector<1x16xf32>,
      %get3A_261 = vector.shape_cast %get3A_260 : vector<1x16xf32> to vector<16xf32>
      %get3A_262 = arith.index_cast %scan3A_161 : i32 to index
      %get3A_263 = arith.constant 112 : index
      %get3A_264 = tpu.vector_load %arg11[%get3A_262, %get3A_263] {strides = array<i32>} : memref<128x128xf32, #tpu.memory_space<vmem>>, vector<1x16xf32>,
      %get3A_265 = vector.shape_cast %get3A_264 : vector<1x16xf32> to vector<16xf32>
      %mul3A_266 = arith.mulf %get3A_261, %get3A_265 : vector<16xf32>
      %swap3A_267 = arith.index_cast %scan3A_161 : i32 to index
      %swap3A_268 = arith.constant 112 : index
      %swap3A_269 = tpu.vector_load %arg9[%swap3A_267, %swap3A_268] {strides = array<i32>} : memref<128x128xf32, #tpu.memory_space<vmem>>, vector<1x16xf32>,
      %swap3A_270 = vector.shape_cast %swap3A_269 : vector<1x16xf32> to vector<16xf32>
      %swap3A_271 = vector.shape_cast %mul3A_266 : vector<16xf32> to vector<1x16xf32>
      tpu.vector_store %arg9[%swap3A_267, %swap3A_268], %swap3A_271 {strides = array<i32>} : memref<128x128xf32, #tpu.memory_space<vmem>>, vector<1x16xf32>,
    }
    %scan3A_45 = arith.constant 128 : i32
    %sub3A = arith.constant 0 : i32
    %sub3A_46 = arith.subi %add3A_4, %sub3A : i32
    %add3A_47 = arith.constant 0 : i32
    %add3A_48 = arith.addi %sub3A_46, %add3A_47 : i32
    %dma_start3A_49 = arith.constant 0 : i32
    %dma_start3A_50 = tpu.memref_slice %arg6[%add3A_48, %dma_start3A_49] : memref<16384x128xf32, #tpu.memory_space<hbm>> -> memref<128x128xf32, #tpu.memory_space<hbm>>
    %dma_start3A_51 = arith.constant 0 : i32
    %dma_start3A_52 = tpu.memref_slice %arg6[%add3A_48, %dma_start3A_51] : memref<16384x128xf32, #tpu.memory_space<hbm>> -> memref<128x128xf32, #tpu.memory_space<hbm>>
    tpu.enqueue_dma source(%arg9 : memref<128x128xf32, #tpu.memory_space<vmem>>) target(%dma_start3A_52 : memref<128x128xf32, #tpu.memory_space<hbm>>) target_semaphore(%arg16 : memref<!tpu.dma_semaphore, #tpu.memory_space<semaphore_mem>>)
    %dma_wait3A_53 = arith.constant 0 : i32
    %dma_wait3A_54 = tpu.memref_slice %arg6[%add3A_48, %dma_wait3A_53] : memref<16384x128xf32, #tpu.memory_space<hbm>> -> memref<128x128xf32, #tpu.memory_space<hbm>>
    %dma_wait3A_55 = arith.constant 0 : i32
    %dma_wait3A_56 = tpu.memref_slice %arg6[%add3A_48, %dma_wait3A_55] : memref<16384x128xf32, #tpu.memory_space<hbm>> -> memref<128x128xf32, #tpu.memory_space<hbm>>
    tpu.wait_dma2 semaphore(%arg16 : memref<!tpu.dma_semaphore, #tpu.memory_space<semaphore_mem>>) src(%arg9 : memref<128x128xf32, #tpu.memory_space<vmem>>) dst(%dma_wait3A_56 : memref<128x128xf32, #tpu.memory_space<hbm>>)
    %dma_start3A_57 = arith.constant 256 : i32
    %dma_start3A_58 = tpu.memref_slice %arg7[%dma_start3A_57] : memref<512xi32, #tpu.memory_space<vmem>> -> memref<128xi32, #tpu.memory_space<vmem>>
    %dma_start3A_59 = arith.constant 0 : i32
    %dma_start3A_60 = arith.constant 0 : i32
    %dma_start3A_61 = tpu.memref_slice %arg4[%dma_start3A_59, %dma_start3A_60] : memref<100000x128xf32, #tpu.memory_space<hbm>> -> memref<100000x128xf32, #tpu.memory_space<hbm>>
    tpu.enqueue_indirect_dma source(%dma_start3A_61 : memref<100000x128xf32, #tpu.memory_space<hbm>>) target(%arg9 : memref<128x128xf32, #tpu.memory_space<vmem>>) offsets(%dma_start3A_58 : memref<128xi32, #tpu.memory_space<vmem>>) semaphore(%arg14 : memref<!tpu.dma_semaphore, #tpu.memory_space<semaphore_mem>>)
    %dma_start3A_62 = arith.constant 256 : i32
    %dma_start3A_63 = tpu.memref_slice %arg8[%dma_start3A_62] : memref<512xi32, #tpu.memory_space<vmem>> -> memref<128xi32, #tpu.memory_space<vmem>>
    %dma_start3A_64 = arith.constant 0 : i32
    %dma_start3A_65 = arith.constant 0 : i32
    %dma_start3A_66 = tpu.memref_slice %arg5[%dma_start3A_64, %dma_start3A_65] : memref<100000x128xf32, #tpu.memory_space<hbm>> -> memref<100000x128xf32, #tpu.memory_space<hbm>>
    tpu.enqueue_indirect_dma source(%dma_start3A_66 : memref<100000x128xf32, #tpu.memory_space<hbm>>) target(%arg11 : memref<128x128xf32, #tpu.memory_space<vmem>>) offsets(%dma_start3A_63 : memref<128xi32, #tpu.memory_space<vmem>>) semaphore(%arg14 : memref<!tpu.dma_semaphore, #tpu.memory_space<semaphore_mem>>)
    %dma_wait3A_67 = arith.constant 128 : i32
    %dma_wait3A_68 = tpu.memref_slice %arg7[%dma_wait3A_67] : memref<512xi32, #tpu.memory_space<vmem>> -> memref<128xi32, #tpu.memory_space<vmem>>
    %dma_wait3A_69 = arith.constant 0 : i32
    %dma_wait3A_70 = arith.constant 0 : i32
    %dma_wait3A_71 = tpu.memref_slice %arg4[%dma_wait3A_69, %dma_wait3A_70] : memref<100000x128xf32, #tpu.memory_space<hbm>> -> memref<100000x128xf32, #tpu.memory_space<hbm>>
    tpu.wait_indirect_dma semaphore(%arg15 : memref<!tpu.dma_semaphore, #tpu.memory_space<semaphore_mem>>) src(%dma_wait3A_71 : memref<100000x128xf32, #tpu.memory_space<hbm>>) dst(%arg10 : memref<128x128xf32, #tpu.memory_space<vmem>>)
    %dma_wait3A_72 = arith.constant 128 : i32
    %dma_wait3A_73 = tpu.memref_slice %arg8[%dma_wait3A_72] : memref<512xi32, #tpu.memory_space<vmem>> -> memref<128xi32, #tpu.memory_space<vmem>>
    %dma_wait3A_74 = arith.constant 0 : i32
    %dma_wait3A_75 = arith.constant 0 : i32
    %dma_wait3A_76 = tpu.memref_slice %arg5[%dma_wait3A_74, %dma_wait3A_75] : memref<100000x128xf32, #tpu.memory_space<hbm>> -> memref<100000x128xf32, #tpu.memory_space<hbm>>
    tpu.wait_indirect_dma semaphore(%arg15 : memref<!tpu.dma_semaphore, #tpu.memory_space<semaphore_mem>>) src(%dma_wait3A_76 : memref<100000x128xf32, #tpu.memory_space<hbm>>) dst(%arg12 : memref<128x128xf32, #tpu.memory_space<vmem>>)
    %scan3A_77 = arith.constant 0 : i32
    %scan3A_78 = arith.constant 0 : i32
    %scan3A_79 = arith.constant 128 : i32
    %scan3A_80 = arith.addi %scan3A_78, %scan3A_79 : i32
    %scan3A_81 = arith.constant 1 : i32
    scf.for %scan3A_161 = %scan3A_78 to %scan3A_80 step %scan3A_81  : i32 {
      %get3A = arith.index_cast %scan3A_161 : i32 to index
      %get3A_162 = arith.constant 0 : index
      %get3A_163 = tpu.vector_load %arg10[%get3A, %get3A_162] {strides = array<i32>} : memref<128x128xf32, #tpu.memory_space<vmem>>, vector<1x16xf32>,
      %get3A_164 = vector.shape_cast %get3A_163 : vector<1x16xf32> to vector<16xf32>
      %get3A_165 = arith.index_cast %scan3A_161 : i32 to index
      %get3A_166 = arith.constant 0 : index
      %get3A_167 = tpu.vector_load %arg12[%get3A_165, %get3A_166] {strides = array<i32>} : memref<128x128xf32, #tpu.memory_space<vmem>>, vector<1x16xf32>,
      %get3A_168 = vector.shape_cast %get3A_167 : vector<1x16xf32> to vector<16xf32>
      %mul3A_169 = arith.mulf %get3A_164, %get3A_168 : vector<16xf32>
      %swap3A = arith.index_cast %scan3A_161 : i32 to index
      %swap3A_170 = arith.constant 0 : index
      %swap3A_171 = tpu.vector_load %arg10[%swap3A, %swap3A_170] {strides = array<i32>} : memref<128x128xf32, #tpu.memory_space<vmem>>, vector<1x16xf32>,
      %swap3A_172 = vector.shape_cast %swap3A_171 : vector<1x16xf32> to vector<16xf32>
      %swap3A_173 = vector.shape_cast %mul3A_169 : vector<16xf32> to vector<1x16xf32>
      tpu.vector_store %arg10[%swap3A, %swap3A_170], %swap3A_173 {strides = array<i32>} : memref<128x128xf32, #tpu.memory_space<vmem>>, vector<1x16xf32>,
      %get3A_174 = arith.index_cast %scan3A_161 : i32 to index
      %get3A_175 = arith.constant 16 : index
      %get3A_176 = tpu.vector_load %arg10[%get3A_174, %get3A_175] {strides = array<i32>} : memref<128x128xf32, #tpu.memory_space<vmem>>, vector<1x16xf32>,
      %get3A_177 = vector.shape_cast %get3A_176 : vector<1x16xf32> to vector<16xf32>
      %get3A_178 = arith.index_cast %scan3A_161 : i32 to index
      %get3A_179 = arith.constant 16 : index
      %get3A_180 = tpu.vector_load %arg12[%get3A_178, %get3A_179] {strides = array<i32>} : memref<128x128xf32, #tpu.memory_space<vmem>>, vector<1x16xf32>,
      %get3A_181 = vector.shape_cast %get3A_180 : vector<1x16xf32> to vector<16xf32>
      %mul3A_182 = arith.mulf %get3A_177, %get3A_181 : vector<16xf32>
      %swap3A_183 = arith.index_cast %scan3A_161 : i32 to index
      %swap3A_184 = arith.constant 16 : index
      %swap3A_185 = tpu.vector_load %arg10[%swap3A_183, %swap3A_184] {strides = array<i32>} : memref<128x128xf32, #tpu.memory_space<vmem>>, vector<1x16xf32>,
      %swap3A_186 = vector.shape_cast %swap3A_185 : vector<1x16xf32> to vector<16xf32>
      %swap3A_187 = vector.shape_cast %mul3A_182 : vector<16xf32> to vector<1x16xf32>
      tpu.vector_store %arg10[%swap3A_183, %swap3A_184], %swap3A_187 {strides = array<i32>} : memref<128x128xf32, #tpu.memory_space<vmem>>, vector<1x16xf32>,
      %get3A_188 = arith.index_cast %scan3A_161 : i32 to index
      %get3A_189 = arith.constant 32 : index
      %get3A_190 = tpu.vector_load %arg10[%get3A_188, %get3A_189] {strides = array<i32>} : memref<128x128xf32, #tpu.memory_space<vmem>>, vector<1x16xf32>,
      %get3A_191 = vector.shape_cast %get3A_190 : vector<1x16xf32> to vector<16xf32>
      %get3A_192 = arith.index_cast %scan3A_161 : i32 to index
      %get3A_193 = arith.constant 32 : index
      %get3A_194 = tpu.vector_load %arg12[%get3A_192, %get3A_193] {strides = array<i32>} : memref<128x128xf32, #tpu.memory_space<vmem>>, vector<1x16xf32>,
      %get3A_195 = vector.shape_cast %get3A_194 : vector<1x16xf32> to vector<16xf32>
      %mul3A_196 = arith.mulf %get3A_191, %get3A_195 : vector<16xf32>
      %swap3A_197 = arith.index_cast %scan3A_161 : i32 to index
      %swap3A_198 = arith.constant 32 : index
      %swap3A_199 = tpu.vector_load %arg10[%swap3A_197, %swap3A_198] {strides = array<i32>} : memref<128x128xf32, #tpu.memory_space<vmem>>, vector<1x16xf32>,
      %swap3A_200 = vector.shape_cast %swap3A_199 : vector<1x16xf32> to vector<16xf32>
      %swap3A_201 = vector.shape_cast %mul3A_196 : vector<16xf32> to vector<1x16xf32>
      tpu.vector_store %arg10[%swap3A_197, %swap3A_198], %swap3A_201 {strides = array<i32>} : memref<128x128xf32, #tpu.memory_space<vmem>>, vector<1x16xf32>,
      %get3A_202 = arith.index_cast %scan3A_161 : i32 to index
      %get3A_203 = arith.constant 48 : index
      %get3A_204 = tpu.vector_load %arg10[%get3A_202, %get3A_203] {strides = array<i32>} : memref<128x128xf32, #tpu.memory_space<vmem>>, vector<1x16xf32>,
      %get3A_205 = vector.shape_cast %get3A_204 : vector<1x16xf32> to vector<16xf32>
      %get3A_206 = arith.index_cast %scan3A_161 : i32 to index
      %get3A_207 = arith.constant 48 : index
      %get3A_208 = tpu.vector_load %arg12[%get3A_206, %get3A_207] {strides = array<i32>} : memref<128x128xf32, #tpu.memory_space<vmem>>, vector<1x16xf32>,
      %get3A_209 = vector.shape_cast %get3A_208 : vector<1x16xf32> to vector<16xf32>
      %mul3A_210 = arith.mulf %get3A_205, %get3A_209 : vector<16xf32>
      %swap3A_211 = arith.index_cast %scan3A_161 : i32 to index
      %swap3A_212 = arith.constant 48 : index
      %swap3A_213 = tpu.vector_load %arg10[%swap3A_211, %swap3A_212] {strides = array<i32>} : memref<128x128xf32, #tpu.memory_space<vmem>>, vector<1x16xf32>,
      %swap3A_214 = vector.shape_cast %swap3A_213 : vector<1x16xf32> to vector<16xf32>
      %swap3A_215 = vector.shape_cast %mul3A_210 : vector<16xf32> to vector<1x16xf32>
      tpu.vector_store %arg10[%swap3A_211, %swap3A_212], %swap3A_215 {strides = array<i32>} : memref<128x128xf32, #tpu.memory_space<vmem>>, vector<1x16xf32>,
      %get3A_216 = arith.index_cast %scan3A_161 : i32 to index
      %get3A_217 = arith.constant 64 : index
      %get3A_218 = tpu.vector_load %arg10[%get3A_216, %get3A_217] {strides = array<i32>} : memref<128x128xf32, #tpu.memory_space<vmem>>, vector<1x16xf32>,
      %get3A_219 = vector.shape_cast %get3A_218 : vector<1x16xf32> to vector<16xf32>
      %get3A_220 = arith.index_cast %scan3A_161 : i32 to index
      %get3A_221 = arith.constant 64 : index
      %get3A_222 = tpu.vector_load %arg12[%get3A_220, %get3A_221] {strides = array<i32>} : memref<128x128xf32, #tpu.memory_space<vmem>>, vector<1x16xf32>,
      %get3A_223 = vector.shape_cast %get3A_222 : vector<1x16xf32> to vector<16xf32>
      %mul3A_224 = arith.mulf %get3A_219, %get3A_223 : vector<16xf32>
      %swap3A_225 = arith.index_cast %scan3A_161 : i32 to index
      %swap3A_226 = arith.constant 64 : index
      %swap3A_227 = tpu.vector_load %arg10[%swap3A_225, %swap3A_226] {strides = array<i32>} : memref<128x128xf32, #tpu.memory_space<vmem>>, vector<1x16xf32>,
      %swap3A_228 = vector.shape_cast %swap3A_227 : vector<1x16xf32> to vector<16xf32>
      %swap3A_229 = vector.shape_cast %mul3A_224 : vector<16xf32> to vector<1x16xf32>
      tpu.vector_store %arg10[%swap3A_225, %swap3A_226], %swap3A_229 {strides = array<i32>} : memref<128x128xf32, #tpu.memory_space<vmem>>, vector<1x16xf32>,
      %get3A_230 = arith.index_cast %scan3A_161 : i32 to index
      %get3A_231 = arith.constant 80 : index
      %get3A_232 = tpu.vector_load %arg10[%get3A_230, %get3A_231] {strides = array<i32>} : memref<128x128xf32, #tpu.memory_space<vmem>>, vector<1x16xf32>,
      %get3A_233 = vector.shape_cast %get3A_232 : vector<1x16xf32> to vector<16xf32>
      %get3A_234 = arith.index_cast %scan3A_161 : i32 to index
      %get3A_235 = arith.constant 80 : index
      %get3A_236 = tpu.vector_load %arg12[%get3A_234, %get3A_235] {strides = array<i32>} : memref<128x128xf32, #tpu.memory_space<vmem>>, vector<1x16xf32>,
      %get3A_237 = vector.shape_cast %get3A_236 : vector<1x16xf32> to vector<16xf32>
      %mul3A_238 = arith.mulf %get3A_233, %get3A_237 : vector<16xf32>
      %swap3A_239 = arith.index_cast %scan3A_161 : i32 to index
      %swap3A_240 = arith.constant 80 : index
      %swap3A_241 = tpu.vector_load %arg10[%swap3A_239, %swap3A_240] {strides = array<i32>} : memref<128x128xf32, #tpu.memory_space<vmem>>, vector<1x16xf32>,
      %swap3A_242 = vector.shape_cast %swap3A_241 : vector<1x16xf32> to vector<16xf32>
      %swap3A_243 = vector.shape_cast %mul3A_238 : vector<16xf32> to vector<1x16xf32>
      tpu.vector_store %arg10[%swap3A_239, %swap3A_240], %swap3A_243 {strides = array<i32>} : memref<128x128xf32, #tpu.memory_space<vmem>>, vector<1x16xf32>,
      %get3A_244 = arith.index_cast %scan3A_161 : i32 to index
      %get3A_245 = arith.constant 96 : index
      %get3A_246 = tpu.vector_load %arg10[%get3A_244, %get3A_245] {strides = array<i32>} : memref<128x128xf32, #tpu.memory_space<vmem>>, vector<1x16xf32>,
      %get3A_247 = vector.shape_cast %get3A_246 : vector<1x16xf32> to vector<16xf32>
      %get3A_248 = arith.index_cast %scan3A_161 : i32 to index
      %get3A_249 = arith.constant 96 : index
      %get3A_250 = tpu.vector_load %arg12[%get3A_248, %get3A_249] {strides = array<i32>} : memref<128x128xf32, #tpu.memory_space<vmem>>, vector<1x16xf32>,
      %get3A_251 = vector.shape_cast %get3A_250 : vector<1x16xf32> to vector<16xf32>
      %mul3A_252 = arith.mulf %get3A_247, %get3A_251 : vector<16xf32>
      %swap3A_253 = arith.index_cast %scan3A_161 : i32 to index
      %swap3A_254 = arith.constant 96 : index
      %swap3A_255 = tpu.vector_load %arg10[%swap3A_253, %swap3A_254] {strides = array<i32>} : memref<128x128xf32, #tpu.memory_space<vmem>>, vector<1x16xf32>,
      %swap3A_256 = vector.shape_cast %swap3A_255 : vector<1x16xf32> to vector<16xf32>
      %swap3A_257 = vector.shape_cast %mul3A_252 : vector<16xf32> to vector<1x16xf32>
      tpu.vector_store %arg10[%swap3A_253, %swap3A_254], %swap3A_257 {strides = array<i32>} : memref<128x128xf32, #tpu.memory_space<vmem>>, vector<1x16xf32>,
      %get3A_258 = arith.index_cast %scan3A_161 : i32 to index
      %get3A_259 = arith.constant 112 : index
      %get3A_260 = tpu.vector_load %arg10[%get3A_258, %get3A_259] {strides = array<i32>} : memref<128x128xf32, #tpu.memory_space<vmem>>, vector<1x16xf32>,
      %get3A_261 = vector.shape_cast %get3A_260 : vector<1x16xf32> to vector<16xf32>
      %get3A_262 = arith.index_cast %scan3A_161 : i32 to index
      %get3A_263 = arith.constant 112 : index
      %get3A_264 = tpu.vector_load %arg12[%get3A_262, %get3A_263] {strides = array<i32>} : memref<128x128xf32, #tpu.memory_space<vmem>>, vector<1x16xf32>,
      %get3A_265 = vector.shape_cast %get3A_264 : vector<1x16xf32> to vector<16xf32>
      %mul3A_266 = arith.mulf %get3A_261, %get3A_265 : vector<16xf32>
      %swap3A_267 = arith.index_cast %scan3A_161 : i32 to index
      %swap3A_268 = arith.constant 112 : index
      %swap3A_269 = tpu.vector_load %arg10[%swap3A_267, %swap3A_268] {strides = array<i32>} : memref<128x128xf32, #tpu.memory_space<vmem>>, vector<1x16xf32>,
      %swap3A_270 = vector.shape_cast %swap3A_269 : vector<1x16xf32> to vector<16xf32>
      %swap3A_271 = vector.shape_cast %mul3A_266 : vector<16xf32> to vector<1x16xf32>
      tpu.vector_store %arg10[%swap3A_267, %swap3A_268], %swap3A_271 {strides = array<i32>} : memref<128x128xf32, #tpu.memory_space<vmem>>, vector<1x16xf32>,
    }
    %scan3A_82 = arith.constant 128 : i32
    %sub3A_83 = arith.constant 0 : i32
    %sub3A_84 = arith.subi %add3A_4, %sub3A_83 : i32
    %add3A_85 = arith.constant 128 : i32
    %add3A_86 = arith.addi %sub3A_84, %add3A_85 : i32
    %dma_start3A_87 = arith.constant 0 : i32
    %dma_start3A_88 = tpu.memref_slice %arg6[%add3A_86, %dma_start3A_87] : memref<16384x128xf32, #tpu.memory_space<hbm>> -> memref<128x128xf32, #tpu.memory_space<hbm>>
    %dma_start3A_89 = arith.constant 0 : i32
    %dma_start3A_90 = tpu.memref_slice %arg6[%add3A_86, %dma_start3A_89] : memref<16384x128xf32, #tpu.memory_space<hbm>> -> memref<128x128xf32, #tpu.memory_space<hbm>>
    tpu.enqueue_dma source(%arg10 : memref<128x128xf32, #tpu.memory_space<vmem>>) target(%dma_start3A_90 : memref<128x128xf32, #tpu.memory_space<hbm>>) target_semaphore(%arg17 : memref<!tpu.dma_semaphore, #tpu.memory_space<semaphore_mem>>)
    %dma_wait3A_91 = arith.constant 0 : i32
    %dma_wait3A_92 = tpu.memref_slice %arg6[%add3A_86, %dma_wait3A_91] : memref<16384x128xf32, #tpu.memory_space<hbm>> -> memref<128x128xf32, #tpu.memory_space<hbm>>
    %dma_wait3A_93 = arith.constant 0 : i32
    %dma_wait3A_94 = tpu.memref_slice %arg6[%add3A_86, %dma_wait3A_93] : memref<16384x128xf32, #tpu.memory_space<hbm>> -> memref<128x128xf32, #tpu.memory_space<hbm>>
    tpu.wait_dma2 semaphore(%arg17 : memref<!tpu.dma_semaphore, #tpu.memory_space<semaphore_mem>>) src(%arg10 : memref<128x128xf32, #tpu.memory_space<vmem>>) dst(%dma_wait3A_94 : memref<128x128xf32, #tpu.memory_space<hbm>>)
    %dma_start3A_95 = arith.constant 384 : i32
    %dma_start3A_96 = tpu.memref_slice %arg7[%dma_start3A_95] : memref<512xi32, #tpu.memory_space<vmem>> -> memref<128xi32, #tpu.memory_space<vmem>>
    %dma_start3A_97 = arith.constant 0 : i32
    %dma_start3A_98 = arith.constant 0 : i32
    %dma_start3A_99 = tpu.memref_slice %arg4[%dma_start3A_97, %dma_start3A_98] : memref<100000x128xf32, #tpu.memory_space<hbm>> -> memref<100000x128xf32, #tpu.memory_space<hbm>>
    tpu.enqueue_indirect_dma source(%dma_start3A_99 : memref<100000x128xf32, #tpu.memory_space<hbm>>) target(%arg10 : memref<128x128xf32, #tpu.memory_space<vmem>>) offsets(%dma_start3A_96 : memref<128xi32, #tpu.memory_space<vmem>>) semaphore(%arg15 : memref<!tpu.dma_semaphore, #tpu.memory_space<semaphore_mem>>)
    %dma_start3A_100 = arith.constant 384 : i32
    %dma_start3A_101 = tpu.memref_slice %arg8[%dma_start3A_100] : memref<512xi32, #tpu.memory_space<vmem>> -> memref<128xi32, #tpu.memory_space<vmem>>
    %dma_start3A_102 = arith.constant 0 : i32
    %dma_start3A_103 = arith.constant 0 : i32
    %dma_start3A_104 = tpu.memref_slice %arg5[%dma_start3A_102, %dma_start3A_103] : memref<100000x128xf32, #tpu.memory_space<hbm>> -> memref<100000x128xf32, #tpu.memory_space<hbm>>
    tpu.enqueue_indirect_dma source(%dma_start3A_104 : memref<100000x128xf32, #tpu.memory_space<hbm>>) target(%arg12 : memref<128x128xf32, #tpu.memory_space<vmem>>) offsets(%dma_start3A_101 : memref<128xi32, #tpu.memory_space<vmem>>) semaphore(%arg15 : memref<!tpu.dma_semaphore, #tpu.memory_space<semaphore_mem>>)
    %dma_wait3A_105 = arith.constant 256 : i32
    %dma_wait3A_106 = tpu.memref_slice %arg7[%dma_wait3A_105] : memref<512xi32, #tpu.memory_space<vmem>> -> memref<128xi32, #tpu.memory_space<vmem>>
    %dma_wait3A_107 = arith.constant 0 : i32
    %dma_wait3A_108 = arith.constant 0 : i32
    %dma_wait3A_109 = tpu.memref_slice %arg4[%dma_wait3A_107, %dma_wait3A_108] : memref<100000x128xf32, #tpu.memory_space<hbm>> -> memref<100000x128xf32, #tpu.memory_space<hbm>>
    tpu.wait_indirect_dma semaphore(%arg14 : memref<!tpu.dma_semaphore, #tpu.memory_space<semaphore_mem>>) src(%dma_wait3A_109 : memref<100000x128xf32, #tpu.memory_space<hbm>>) dst(%arg9 : memref<128x128xf32, #tpu.memory_space<vmem>>)
    %dma_wait3A_110 = arith.constant 256 : i32
    %dma_wait3A_111 = tpu.memref_slice %arg8[%dma_wait3A_110] : memref<512xi32, #tpu.memory_space<vmem>> -> memref<128xi32, #tpu.memory_space<vmem>>
    %dma_wait3A_112 = arith.constant 0 : i32
    %dma_wait3A_113 = arith.constant 0 : i32
    %dma_wait3A_114 = tpu.memref_slice %arg5[%dma_wait3A_112, %dma_wait3A_113] : memref<100000x128xf32, #tpu.memory_space<hbm>> -> memref<100000x128xf32, #tpu.memory_space<hbm>>
    tpu.wait_indirect_dma semaphore(%arg14 : memref<!tpu.dma_semaphore, #tpu.memory_space<semaphore_mem>>) src(%dma_wait3A_114 : memref<100000x128xf32, #tpu.memory_space<hbm>>) dst(%arg11 : memref<128x128xf32, #tpu.memory_space<vmem>>)
    %scan3A_115 = arith.constant 0 : i32
    %scan3A_116 = arith.constant 0 : i32
    %scan3A_117 = arith.constant 128 : i32
    %scan3A_118 = arith.addi %scan3A_116, %scan3A_117 : i32
    %scan3A_119 = arith.constant 1 : i32
    scf.for %scan3A_161 = %scan3A_116 to %scan3A_118 step %scan3A_119  : i32 {
      %get3A = arith.index_cast %scan3A_161 : i32 to index
      %get3A_162 = arith.constant 0 : index
      %get3A_163 = tpu.vector_load %arg9[%get3A, %get3A_162] {strides = array<i32>} : memref<128x128xf32, #tpu.memory_space<vmem>>, vector<1x16xf32>,
      %get3A_164 = vector.shape_cast %get3A_163 : vector<1x16xf32> to vector<16xf32>
      %get3A_165 = arith.index_cast %scan3A_161 : i32 to index
      %get3A_166 = arith.constant 0 : index
      %get3A_167 = tpu.vector_load %arg11[%get3A_165, %get3A_166] {strides = array<i32>} : memref<128x128xf32, #tpu.memory_space<vmem>>, vector<1x16xf32>,
      %get3A_168 = vector.shape_cast %get3A_167 : vector<1x16xf32> to vector<16xf32>
      %mul3A_169 = arith.mulf %get3A_164, %get3A_168 : vector<16xf32>
      %swap3A = arith.index_cast %scan3A_161 : i32 to index
      %swap3A_170 = arith.constant 0 : index
      %swap3A_171 = tpu.vector_load %arg9[%swap3A, %swap3A_170] {strides = array<i32>} : memref<128x128xf32, #tpu.memory_space<vmem>>, vector<1x16xf32>,
      %swap3A_172 = vector.shape_cast %swap3A_171 : vector<1x16xf32> to vector<16xf32>
      %swap3A_173 = vector.shape_cast %mul3A_169 : vector<16xf32> to vector<1x16xf32>
      tpu.vector_store %arg9[%swap3A, %swap3A_170], %swap3A_173 {strides = array<i32>} : memref<128x128xf32, #tpu.memory_space<vmem>>, vector<1x16xf32>,
      %get3A_174 = arith.index_cast %scan3A_161 : i32 to index
      %get3A_175 = arith.constant 16 : index
      %get3A_176 = tpu.vector_load %arg9[%get3A_174, %get3A_175] {strides = array<i32>} : memref<128x128xf32, #tpu.memory_space<vmem>>, vector<1x16xf32>,
      %get3A_177 = vector.shape_cast %get3A_176 : vector<1x16xf32> to vector<16xf32>
      %get3A_178 = arith.index_cast %scan3A_161 : i32 to index
      %get3A_179 = arith.constant 16 : index
      %get3A_180 = tpu.vector_load %arg11[%get3A_178, %get3A_179] {strides = array<i32>} : memref<128x128xf32, #tpu.memory_space<vmem>>, vector<1x16xf32>,
      %get3A_181 = vector.shape_cast %get3A_180 : vector<1x16xf32> to vector<16xf32>
      %mul3A_182 = arith.mulf %get3A_177, %get3A_181 : vector<16xf32>
      %swap3A_183 = arith.index_cast %scan3A_161 : i32 to index
      %swap3A_184 = arith.constant 16 : index
      %swap3A_185 = tpu.vector_load %arg9[%swap3A_183, %swap3A_184] {strides = array<i32>} : memref<128x128xf32, #tpu.memory_space<vmem>>, vector<1x16xf32>,
      %swap3A_186 = vector.shape_cast %swap3A_185 : vector<1x16xf32> to vector<16xf32>
      %swap3A_187 = vector.shape_cast %mul3A_182 : vector<16xf32> to vector<1x16xf32>
      tpu.vector_store %arg9[%swap3A_183, %swap3A_184], %swap3A_187 {strides = array<i32>} : memref<128x128xf32, #tpu.memory_space<vmem>>, vector<1x16xf32>,
      %get3A_188 = arith.index_cast %scan3A_161 : i32 to index
      %get3A_189 = arith.constant 32 : index
      %get3A_190 = tpu.vector_load %arg9[%get3A_188, %get3A_189] {strides = array<i32>} : memref<128x128xf32, #tpu.memory_space<vmem>>, vector<1x16xf32>,
      %get3A_191 = vector.shape_cast %get3A_190 : vector<1x16xf32> to vector<16xf32>
      %get3A_192 = arith.index_cast %scan3A_161 : i32 to index
      %get3A_193 = arith.constant 32 : index
      %get3A_194 = tpu.vector_load %arg11[%get3A_192, %get3A_193] {strides = array<i32>} : memref<128x128xf32, #tpu.memory_space<vmem>>, vector<1x16xf32>,
      %get3A_195 = vector.shape_cast %get3A_194 : vector<1x16xf32> to vector<16xf32>
      %mul3A_196 = arith.mulf %get3A_191, %get3A_195 : vector<16xf32>
      %swap3A_197 = arith.index_cast %scan3A_161 : i32 to index
      %swap3A_198 = arith.constant 32 : index
      %swap3A_199 = tpu.vector_load %arg9[%swap3A_197, %swap3A_198] {strides = array<i32>} : memref<128x128xf32, #tpu.memory_space<vmem>>, vector<1x16xf32>,
      %swap3A_200 = vector.shape_cast %swap3A_199 : vector<1x16xf32> to vector<16xf32>
      %swap3A_201 = vector.shape_cast %mul3A_196 : vector<16xf32> to vector<1x16xf32>
      tpu.vector_store %arg9[%swap3A_197, %swap3A_198], %swap3A_201 {strides = array<i32>} : memref<128x128xf32, #tpu.memory_space<vmem>>, vector<1x16xf32>,
      %get3A_202 = arith.index_cast %scan3A_161 : i32 to index
      %get3A_203 = arith.constant 48 : index
      %get3A_204 = tpu.vector_load %arg9[%get3A_202, %get3A_203] {strides = array<i32>} : memref<128x128xf32, #tpu.memory_space<vmem>>, vector<1x16xf32>,
      %get3A_205 = vector.shape_cast %get3A_204 : vector<1x16xf32> to vector<16xf32>
      %get3A_206 = arith.index_cast %scan3A_161 : i32 to index
      %get3A_207 = arith.constant 48 : index
      %get3A_208 = tpu.vector_load %arg11[%get3A_206, %get3A_207] {strides = array<i32>} : memref<128x128xf32, #tpu.memory_space<vmem>>, vector<1x16xf32>,
      %get3A_209 = vector.shape_cast %get3A_208 : vector<1x16xf32> to vector<16xf32>
      %mul3A_210 = arith.mulf %get3A_205, %get3A_209 : vector<16xf32>
      %swap3A_211 = arith.index_cast %scan3A_161 : i32 to index
      %swap3A_212 = arith.constant 48 : index
      %swap3A_213 = tpu.vector_load %arg9[%swap3A_211, %swap3A_212] {strides = array<i32>} : memref<128x128xf32, #tpu.memory_space<vmem>>, vector<1x16xf32>,
      %swap3A_214 = vector.shape_cast %swap3A_213 : vector<1x16xf32> to vector<16xf32>
      %swap3A_215 = vector.shape_cast %mul3A_210 : vector<16xf32> to vector<1x16xf32>
      tpu.vector_store %arg9[%swap3A_211, %swap3A_212], %swap3A_215 {strides = array<i32>} : memref<128x128xf32, #tpu.memory_space<vmem>>, vector<1x16xf32>,
      %get3A_216 = arith.index_cast %scan3A_161 : i32 to index
      %get3A_217 = arith.constant 64 : index
      %get3A_218 = tpu.vector_load %arg9[%get3A_216, %get3A_217] {strides = array<i32>} : memref<128x128xf32, #tpu.memory_space<vmem>>, vector<1x16xf32>,
      %get3A_219 = vector.shape_cast %get3A_218 : vector<1x16xf32> to vector<16xf32>
      %get3A_220 = arith.index_cast %scan3A_161 : i32 to index
      %get3A_221 = arith.constant 64 : index
      %get3A_222 = tpu.vector_load %arg11[%get3A_220, %get3A_221] {strides = array<i32>} : memref<128x128xf32, #tpu.memory_space<vmem>>, vector<1x16xf32>,
      %get3A_223 = vector.shape_cast %get3A_222 : vector<1x16xf32> to vector<16xf32>
      %mul3A_224 = arith.mulf %get3A_219, %get3A_223 : vector<16xf32>
      %swap3A_225 = arith.index_cast %scan3A_161 : i32 to index
      %swap3A_226 = arith.constant 64 : index
      %swap3A_227 = tpu.vector_load %arg9[%swap3A_225, %swap3A_226] {strides = array<i32>} : memref<128x128xf32, #tpu.memory_space<vmem>>, vector<1x16xf32>,
      %swap3A_228 = vector.shape_cast %swap3A_227 : vector<1x16xf32> to vector<16xf32>
      %swap3A_229 = vector.shape_cast %mul3A_224 : vector<16xf32> to vector<1x16xf32>
      tpu.vector_store %arg9[%swap3A_225, %swap3A_226], %swap3A_229 {strides = array<i32>} : memref<128x128xf32, #tpu.memory_space<vmem>>, vector<1x16xf32>,
      %get3A_230 = arith.index_cast %scan3A_161 : i32 to index
      %get3A_231 = arith.constant 80 : index
      %get3A_232 = tpu.vector_load %arg9[%get3A_230, %get3A_231] {strides = array<i32>} : memref<128x128xf32, #tpu.memory_space<vmem>>, vector<1x16xf32>,
      %get3A_233 = vector.shape_cast %get3A_232 : vector<1x16xf32> to vector<16xf32>
      %get3A_234 = arith.index_cast %scan3A_161 : i32 to index
      %get3A_235 = arith.constant 80 : index
      %get3A_236 = tpu.vector_load %arg11[%get3A_234, %get3A_235] {strides = array<i32>} : memref<128x128xf32, #tpu.memory_space<vmem>>, vector<1x16xf32>,
      %get3A_237 = vector.shape_cast %get3A_236 : vector<1x16xf32> to vector<16xf32>
      %mul3A_238 = arith.mulf %get3A_233, %get3A_237 : vector<16xf32>
      %swap3A_239 = arith.index_cast %scan3A_161 : i32 to index
      %swap3A_240 = arith.constant 80 : index
      %swap3A_241 = tpu.vector_load %arg9[%swap3A_239, %swap3A_240] {strides = array<i32>} : memref<128x128xf32, #tpu.memory_space<vmem>>, vector<1x16xf32>,
      %swap3A_242 = vector.shape_cast %swap3A_241 : vector<1x16xf32> to vector<16xf32>
      %swap3A_243 = vector.shape_cast %mul3A_238 : vector<16xf32> to vector<1x16xf32>
      tpu.vector_store %arg9[%swap3A_239, %swap3A_240], %swap3A_243 {strides = array<i32>} : memref<128x128xf32, #tpu.memory_space<vmem>>, vector<1x16xf32>,
      %get3A_244 = arith.index_cast %scan3A_161 : i32 to index
      %get3A_245 = arith.constant 96 : index
      %get3A_246 = tpu.vector_load %arg9[%get3A_244, %get3A_245] {strides = array<i32>} : memref<128x128xf32, #tpu.memory_space<vmem>>, vector<1x16xf32>,
      %get3A_247 = vector.shape_cast %get3A_246 : vector<1x16xf32> to vector<16xf32>
      %get3A_248 = arith.index_cast %scan3A_161 : i32 to index
      %get3A_249 = arith.constant 96 : index
      %get3A_250 = tpu.vector_load %arg11[%get3A_248, %get3A_249] {strides = array<i32>} : memref<128x128xf32, #tpu.memory_space<vmem>>, vector<1x16xf32>,
      %get3A_251 = vector.shape_cast %get3A_250 : vector<1x16xf32> to vector<16xf32>
      %mul3A_252 = arith.mulf %get3A_247, %get3A_251 : vector<16xf32>
      %swap3A_253 = arith.index_cast %scan3A_161 : i32 to index
      %swap3A_254 = arith.constant 96 : index
      %swap3A_255 = tpu.vector_load %arg9[%swap3A_253, %swap3A_254] {strides = array<i32>} : memref<128x128xf32, #tpu.memory_space<vmem>>, vector<1x16xf32>,
      %swap3A_256 = vector.shape_cast %swap3A_255 : vector<1x16xf32> to vector<16xf32>
      %swap3A_257 = vector.shape_cast %mul3A_252 : vector<16xf32> to vector<1x16xf32>
      tpu.vector_store %arg9[%swap3A_253, %swap3A_254], %swap3A_257 {strides = array<i32>} : memref<128x128xf32, #tpu.memory_space<vmem>>, vector<1x16xf32>,
      %get3A_258 = arith.index_cast %scan3A_161 : i32 to index
      %get3A_259 = arith.constant 112 : index
      %get3A_260 = tpu.vector_load %arg9[%get3A_258, %get3A_259] {strides = array<i32>} : memref<128x128xf32, #tpu.memory_space<vmem>>, vector<1x16xf32>,
      %get3A_261 = vector.shape_cast %get3A_260 : vector<1x16xf32> to vector<16xf32>
      %get3A_262 = arith.index_cast %scan3A_161 : i32 to index
      %get3A_263 = arith.constant 112 : index
      %get3A_264 = tpu.vector_load %arg11[%get3A_262, %get3A_263] {strides = array<i32>} : memref<128x128xf32, #tpu.memory_space<vmem>>, vector<1x16xf32>,
      %get3A_265 = vector.shape_cast %get3A_264 : vector<1x16xf32> to vector<16xf32>
      %mul3A_266 = arith.mulf %get3A_261, %get3A_265 : vector<16xf32>
      %swap3A_267 = arith.index_cast %scan3A_161 : i32 to index
      %swap3A_268 = arith.constant 112 : index
      %swap3A_269 = tpu.vector_load %arg9[%swap3A_267, %swap3A_268] {strides = array<i32>} : memref<128x128xf32, #tpu.memory_space<vmem>>, vector<1x16xf32>,
      %swap3A_270 = vector.shape_cast %swap3A_269 : vector<1x16xf32> to vector<16xf32>
      %swap3A_271 = vector.shape_cast %mul3A_266 : vector<16xf32> to vector<1x16xf32>
      tpu.vector_store %arg9[%swap3A_267, %swap3A_268], %swap3A_271 {strides = array<i32>} : memref<128x128xf32, #tpu.memory_space<vmem>>, vector<1x16xf32>,
    }
    %scan3A_120 = arith.constant 128 : i32
    %sub3A_121 = arith.constant 0 : i32
    %sub3A_122 = arith.subi %add3A_4, %sub3A_121 : i32
    %add3A_123 = arith.constant 256 : i32
    %add3A_124 = arith.addi %sub3A_122, %add3A_123 : i32
    %dma_start3A_125 = arith.constant 0 : i32
    %dma_start3A_126 = tpu.memref_slice %arg6[%add3A_124, %dma_start3A_125] : memref<16384x128xf32, #tpu.memory_space<hbm>> -> memref<128x128xf32, #tpu.memory_space<hbm>>
    %dma_start3A_127 = arith.constant 0 : i32
    %dma_start3A_128 = tpu.memref_slice %arg6[%add3A_124, %dma_start3A_127] : memref<16384x128xf32, #tpu.memory_space<hbm>> -> memref<128x128xf32, #tpu.memory_space<hbm>>
    tpu.enqueue_dma source(%arg9 : memref<128x128xf32, #tpu.memory_space<vmem>>) target(%dma_start3A_128 : memref<128x128xf32, #tpu.memory_space<hbm>>) target_semaphore(%arg16 : memref<!tpu.dma_semaphore, #tpu.memory_space<semaphore_mem>>)
    %dma_wait3A_129 = arith.constant 384 : i32
    %dma_wait3A_130 = tpu.memref_slice %arg7[%dma_wait3A_129] : memref<512xi32, #tpu.memory_space<vmem>> -> memref<128xi32, #tpu.memory_space<vmem>>
    %dma_wait3A_131 = arith.constant 0 : i32
    %dma_wait3A_132 = arith.constant 0 : i32
    %dma_wait3A_133 = tpu.memref_slice %arg4[%dma_wait3A_131, %dma_wait3A_132] : memref<100000x128xf32, #tpu.memory_space<hbm>> -> memref<100000x128xf32, #tpu.memory_space<hbm>>
    tpu.wait_indirect_dma semaphore(%arg15 : memref<!tpu.dma_semaphore, #tpu.memory_space<semaphore_mem>>) src(%dma_wait3A_133 : memref<100000x128xf32, #tpu.memory_space<hbm>>) dst(%arg10 : memref<128x128xf32, #tpu.memory_space<vmem>>)
    %dma_wait3A_134 = arith.constant 384 : i32
    %dma_wait3A_135 = tpu.memref_slice %arg8[%dma_wait3A_134] : memref<512xi32, #tpu.memory_space<vmem>> -> memref<128xi32, #tpu.memory_space<vmem>>
    %dma_wait3A_136 = arith.constant 0 : i32
    %dma_wait3A_137 = arith.constant 0 : i32
    %dma_wait3A_138 = tpu.memref_slice %arg5[%dma_wait3A_136, %dma_wait3A_137] : memref<100000x128xf32, #tpu.memory_space<hbm>> -> memref<100000x128xf32, #tpu.memory_space<hbm>>
    tpu.wait_indirect_dma semaphore(%arg15 : memref<!tpu.dma_semaphore, #tpu.memory_space<semaphore_mem>>) src(%dma_wait3A_138 : memref<100000x128xf32, #tpu.memory_space<hbm>>) dst(%arg12 : memref<128x128xf32, #tpu.memory_space<vmem>>)
    %scan3A_139 = arith.constant 0 : i32
    %scan3A_140 = arith.constant 0 : i32
    %scan3A_141 = arith.constant 128 : i32
    %scan3A_142 = arith.addi %scan3A_140, %scan3A_141 : i32
    %scan3A_143 = arith.constant 1 : i32
    scf.for %scan3A_161 = %scan3A_140 to %scan3A_142 step %scan3A_143  : i32 {
      %get3A = arith.index_cast %scan3A_161 : i32 to index
      %get3A_162 = arith.constant 0 : index
      %get3A_163 = tpu.vector_load %arg10[%get3A, %get3A_162] {strides = array<i32>} : memref<128x128xf32, #tpu.memory_space<vmem>>, vector<1x16xf32>,
      %get3A_164 = vector.shape_cast %get3A_163 : vector<1x16xf32> to vector<16xf32>
      %get3A_165 = arith.index_cast %scan3A_161 : i32 to index
      %get3A_166 = arith.constant 0 : index
      %get3A_167 = tpu.vector_load %arg12[%get3A_165, %get3A_166] {strides = array<i32>} : memref<128x128xf32, #tpu.memory_space<vmem>>, vector<1x16xf32>,
      %get3A_168 = vector.shape_cast %get3A_167 : vector<1x16xf32> to vector<16xf32>
      %mul3A_169 = arith.mulf %get3A_164, %get3A_168 : vector<16xf32>
      %swap3A = arith.index_cast %scan3A_161 : i32 to index
      %swap3A_170 = arith.constant 0 : index
      %swap3A_171 = tpu.vector_load %arg10[%swap3A, %swap3A_170] {strides = array<i32>} : memref<128x128xf32, #tpu.memory_space<vmem>>, vector<1x16xf32>,
      %swap3A_172 = vector.shape_cast %swap3A_171 : vector<1x16xf32> to vector<16xf32>
      %swap3A_173 = vector.shape_cast %mul3A_169 : vector<16xf32> to vector<1x16xf32>
      tpu.vector_store %arg10[%swap3A, %swap3A_170], %swap3A_173 {strides = array<i32>} : memref<128x128xf32, #tpu.memory_space<vmem>>, vector<1x16xf32>,
      %get3A_174 = arith.index_cast %scan3A_161 : i32 to index
      %get3A_175 = arith.constant 16 : index
      %get3A_176 = tpu.vector_load %arg10[%get3A_174, %get3A_175] {strides = array<i32>} : memref<128x128xf32, #tpu.memory_space<vmem>>, vector<1x16xf32>,
      %get3A_177 = vector.shape_cast %get3A_176 : vector<1x16xf32> to vector<16xf32>
      %get3A_178 = arith.index_cast %scan3A_161 : i32 to index
      %get3A_179 = arith.constant 16 : index
      %get3A_180 = tpu.vector_load %arg12[%get3A_178, %get3A_179] {strides = array<i32>} : memref<128x128xf32, #tpu.memory_space<vmem>>, vector<1x16xf32>,
      %get3A_181 = vector.shape_cast %get3A_180 : vector<1x16xf32> to vector<16xf32>
      %mul3A_182 = arith.mulf %get3A_177, %get3A_181 : vector<16xf32>
      %swap3A_183 = arith.index_cast %scan3A_161 : i32 to index
      %swap3A_184 = arith.constant 16 : index
      %swap3A_185 = tpu.vector_load %arg10[%swap3A_183, %swap3A_184] {strides = array<i32>} : memref<128x128xf32, #tpu.memory_space<vmem>>, vector<1x16xf32>,
      %swap3A_186 = vector.shape_cast %swap3A_185 : vector<1x16xf32> to vector<16xf32>
      %swap3A_187 = vector.shape_cast %mul3A_182 : vector<16xf32> to vector<1x16xf32>
      tpu.vector_store %arg10[%swap3A_183, %swap3A_184], %swap3A_187 {strides = array<i32>} : memref<128x128xf32, #tpu.memory_space<vmem>>, vector<1x16xf32>,
      %get3A_188 = arith.index_cast %scan3A_161 : i32 to index
      %get3A_189 = arith.constant 32 : index
      %get3A_190 = tpu.vector_load %arg10[%get3A_188, %get3A_189] {strides = array<i32>} : memref<128x128xf32, #tpu.memory_space<vmem>>, vector<1x16xf32>,
      %get3A_191 = vector.shape_cast %get3A_190 : vector<1x16xf32> to vector<16xf32>
      %get3A_192 = arith.index_cast %scan3A_161 : i32 to index
      %get3A_193 = arith.constant 32 : index
      %get3A_194 = tpu.vector_load %arg12[%get3A_192, %get3A_193] {strides = array<i32>} : memref<128x128xf32, #tpu.memory_space<vmem>>, vector<1x16xf32>,
      %get3A_195 = vector.shape_cast %get3A_194 : vector<1x16xf32> to vector<16xf32>
      %mul3A_196 = arith.mulf %get3A_191, %get3A_195 : vector<16xf32>
      %swap3A_197 = arith.index_cast %scan3A_161 : i32 to index
      %swap3A_198 = arith.constant 32 : index
      %swap3A_199 = tpu.vector_load %arg10[%swap3A_197, %swap3A_198] {strides = array<i32>} : memref<128x128xf32, #tpu.memory_space<vmem>>, vector<1x16xf32>,
      %swap3A_200 = vector.shape_cast %swap3A_199 : vector<1x16xf32> to vector<16xf32>
      %swap3A_201 = vector.shape_cast %mul3A_196 : vector<16xf32> to vector<1x16xf32>
      tpu.vector_store %arg10[%swap3A_197, %swap3A_198], %swap3A_201 {strides = array<i32>} : memref<128x128xf32, #tpu.memory_space<vmem>>, vector<1x16xf32>,
      %get3A_202 = arith.index_cast %scan3A_161 : i32 to index
      %get3A_203 = arith.constant 48 : index
      %get3A_204 = tpu.vector_load %arg10[%get3A_202, %get3A_203] {strides = array<i32>} : memref<128x128xf32, #tpu.memory_space<vmem>>, vector<1x16xf32>,
      %get3A_205 = vector.shape_cast %get3A_204 : vector<1x16xf32> to vector<16xf32>
      %get3A_206 = arith.index_cast %scan3A_161 : i32 to index
      %get3A_207 = arith.constant 48 : index
      %get3A_208 = tpu.vector_load %arg12[%get3A_206, %get3A_207] {strides = array<i32>} : memref<128x128xf32, #tpu.memory_space<vmem>>, vector<1x16xf32>,
      %get3A_209 = vector.shape_cast %get3A_208 : vector<1x16xf32> to vector<16xf32>
      %mul3A_210 = arith.mulf %get3A_205, %get3A_209 : vector<16xf32>
      %swap3A_211 = arith.index_cast %scan3A_161 : i32 to index
      %swap3A_212 = arith.constant 48 : index
      %swap3A_213 = tpu.vector_load %arg10[%swap3A_211, %swap3A_212] {strides = array<i32>} : memref<128x128xf32, #tpu.memory_space<vmem>>, vector<1x16xf32>,
      %swap3A_214 = vector.shape_cast %swap3A_213 : vector<1x16xf32> to vector<16xf32>
      %swap3A_215 = vector.shape_cast %mul3A_210 : vector<16xf32> to vector<1x16xf32>
      tpu.vector_store %arg10[%swap3A_211, %swap3A_212], %swap3A_215 {strides = array<i32>} : memref<128x128xf32, #tpu.memory_space<vmem>>, vector<1x16xf32>,
      %get3A_216 = arith.index_cast %scan3A_161 : i32 to index
      %get3A_217 = arith.constant 64 : index
      %get3A_218 = tpu.vector_load %arg10[%get3A_216, %get3A_217] {strides = array<i32>} : memref<128x128xf32, #tpu.memory_space<vmem>>, vector<1x16xf32>,
      %get3A_219 = vector.shape_cast %get3A_218 : vector<1x16xf32> to vector<16xf32>
      %get3A_220 = arith.index_cast %scan3A_161 : i32 to index
      %get3A_221 = arith.constant 64 : index
      %get3A_222 = tpu.vector_load %arg12[%get3A_220, %get3A_221] {strides = array<i32>} : memref<128x128xf32, #tpu.memory_space<vmem>>, vector<1x16xf32>,
      %get3A_223 = vector.shape_cast %get3A_222 : vector<1x16xf32> to vector<16xf32>
      %mul3A_224 = arith.mulf %get3A_219, %get3A_223 : vector<16xf32>
      %swap3A_225 = arith.index_cast %scan3A_161 : i32 to index
      %swap3A_226 = arith.constant 64 : index
      %swap3A_227 = tpu.vector_load %arg10[%swap3A_225, %swap3A_226] {strides = array<i32>} : memref<128x128xf32, #tpu.memory_space<vmem>>, vector<1x16xf32>,
      %swap3A_228 = vector.shape_cast %swap3A_227 : vector<1x16xf32> to vector<16xf32>
      %swap3A_229 = vector.shape_cast %mul3A_224 : vector<16xf32> to vector<1x16xf32>
      tpu.vector_store %arg10[%swap3A_225, %swap3A_226], %swap3A_229 {strides = array<i32>} : memref<128x128xf32, #tpu.memory_space<vmem>>, vector<1x16xf32>,
      %get3A_230 = arith.index_cast %scan3A_161 : i32 to index
      %get3A_231 = arith.constant 80 : index
      %get3A_232 = tpu.vector_load %arg10[%get3A_230, %get3A_231] {strides = array<i32>} : memref<128x128xf32, #tpu.memory_space<vmem>>, vector<1x16xf32>,
      %get3A_233 = vector.shape_cast %get3A_232 : vector<1x16xf32> to vector<16xf32>
      %get3A_234 = arith.index_cast %scan3A_161 : i32 to index
      %get3A_235 = arith.constant 80 : index
      %get3A_236 = tpu.vector_load %arg12[%get3A_234, %get3A_235] {strides = array<i32>} : memref<128x128xf32, #tpu.memory_space<vmem>>, vector<1x16xf32>,
      %get3A_237 = vector.shape_cast %get3A_236 : vector<1x16xf32> to vector<16xf32>
      %mul3A_238 = arith.mulf %get3A_233, %get3A_237 : vector<16xf32>
      %swap3A_239 = arith.index_cast %scan3A_161 : i32 to index
      %swap3A_240 = arith.constant 80 : index
      %swap3A_241 = tpu.vector_load %arg10[%swap3A_239, %swap3A_240] {strides = array<i32>} : memref<128x128xf32, #tpu.memory_space<vmem>>, vector<1x16xf32>,
      %swap3A_242 = vector.shape_cast %swap3A_241 : vector<1x16xf32> to vector<16xf32>
      %swap3A_243 = vector.shape_cast %mul3A_238 : vector<16xf32> to vector<1x16xf32>
      tpu.vector_store %arg10[%swap3A_239, %swap3A_240], %swap3A_243 {strides = array<i32>} : memref<128x128xf32, #tpu.memory_space<vmem>>, vector<1x16xf32>,
      %get3A_244 = arith.index_cast %scan3A_161 : i32 to index
      %get3A_245 = arith.constant 96 : index
      %get3A_246 = tpu.vector_load %arg10[%get3A_244, %get3A_245] {strides = array<i32>} : memref<128x128xf32, #tpu.memory_space<vmem>>, vector<1x16xf32>,
      %get3A_247 = vector.shape_cast %get3A_246 : vector<1x16xf32> to vector<16xf32>
      %get3A_248 = arith.index_cast %scan3A_161 : i32 to index
      %get3A_249 = arith.constant 96 : index
      %get3A_250 = tpu.vector_load %arg12[%get3A_248, %get3A_249] {strides = array<i32>} : memref<128x128xf32, #tpu.memory_space<vmem>>, vector<1x16xf32>,
      %get3A_251 = vector.shape_cast %get3A_250 : vector<1x16xf32> to vector<16xf32>
      %mul3A_252 = arith.mulf %get3A_247, %get3A_251 : vector<16xf32>
      %swap3A_253 = arith.index_cast %scan3A_161 : i32 to index
      %swap3A_254 = arith.constant 96 : index
      %swap3A_255 = tpu.vector_load %arg10[%swap3A_253, %swap3A_254] {strides = array<i32>} : memref<128x128xf32, #tpu.memory_space<vmem>>, vector<1x16xf32>,
      %swap3A_256 = vector.shape_cast %swap3A_255 : vector<1x16xf32> to vector<16xf32>
      %swap3A_257 = vector.shape_cast %mul3A_252 : vector<16xf32> to vector<1x16xf32>
      tpu.vector_store %arg10[%swap3A_253, %swap3A_254], %swap3A_257 {strides = array<i32>} : memref<128x128xf32, #tpu.memory_space<vmem>>, vector<1x16xf32>,
      %get3A_258 = arith.index_cast %scan3A_161 : i32 to index
      %get3A_259 = arith.constant 112 : index
      %get3A_260 = tpu.vector_load %arg10[%get3A_258, %get3A_259] {strides = array<i32>} : memref<128x128xf32, #tpu.memory_space<vmem>>, vector<1x16xf32>,
      %get3A_261 = vector.shape_cast %get3A_260 : vector<1x16xf32> to vector<16xf32>
      %get3A_262 = arith.index_cast %scan3A_161 : i32 to index
      %get3A_263 = arith.constant 112 : index
      %get3A_264 = tpu.vector_load %arg12[%get3A_262, %get3A_263] {strides = array<i32>} : memref<128x128xf32, #tpu.memory_space<vmem>>, vector<1x16xf32>,
      %get3A_265 = vector.shape_cast %get3A_264 : vector<1x16xf32> to vector<16xf32>
      %mul3A_266 = arith.mulf %get3A_261, %get3A_265 : vector<16xf32>
      %swap3A_267 = arith.index_cast %scan3A_161 : i32 to index
      %swap3A_268 = arith.constant 112 : index
      %swap3A_269 = tpu.vector_load %arg10[%swap3A_267, %swap3A_268] {strides = array<i32>} : memref<128x128xf32, #tpu.memory_space<vmem>>, vector<1x16xf32>,
      %swap3A_270 = vector.shape_cast %swap3A_269 : vector<1x16xf32> to vector<16xf32>
      %swap3A_271 = vector.shape_cast %mul3A_266 : vector<16xf32> to vector<1x16xf32>
      tpu.vector_store %arg10[%swap3A_267, %swap3A_268], %swap3A_271 {strides = array<i32>} : memref<128x128xf32, #tpu.memory_space<vmem>>, vector<1x16xf32>,
    }
    %scan3A_144 = arith.constant 128 : i32
    %sub3A_145 = arith.constant 0 : i32
    %sub3A_146 = arith.subi %add3A_4, %sub3A_145 : i32
    %add3A_147 = arith.constant 384 : i32
    %add3A_148 = arith.addi %sub3A_146, %add3A_147 : i32
    %dma_start3A_149 = arith.constant 0 : i32
    %dma_start3A_150 = tpu.memref_slice %arg6[%add3A_148, %dma_start3A_149] : memref<16384x128xf32, #tpu.memory_space<hbm>> -> memref<128x128xf32, #tpu.memory_space<hbm>>
    %dma_start3A_151 = arith.constant 0 : i32
    %dma_start3A_152 = tpu.memref_slice %arg6[%add3A_148, %dma_start3A_151] : memref<16384x128xf32, #tpu.memory_space<hbm>> -> memref<128x128xf32, #tpu.memory_space<hbm>>
    tpu.enqueue_dma source(%arg10 : memref<128x128xf32, #tpu.memory_space<vmem>>) target(%dma_start3A_152 : memref<128x128xf32, #tpu.memory_space<hbm>>) target_semaphore(%arg17 : memref<!tpu.dma_semaphore, #tpu.memory_space<semaphore_mem>>)
    %dma_wait3A_153 = arith.constant 0 : i32
    %dma_wait3A_154 = tpu.memref_slice %arg6[%add3A_124, %dma_wait3A_153] : memref<16384x128xf32, #tpu.memory_space<hbm>> -> memref<128x128xf32, #tpu.memory_space<hbm>>
    %dma_wait3A_155 = arith.constant 0 : i32
    %dma_wait3A_156 = tpu.memref_slice %arg6[%add3A_124, %dma_wait3A_155] : memref<16384x128xf32, #tpu.memory_space<hbm>> -> memref<128x128xf32, #tpu.memory_space<hbm>>
    tpu.wait_dma2 semaphore(%arg16 : memref<!tpu.dma_semaphore, #tpu.memory_space<semaphore_mem>>) src(%arg9 : memref<128x128xf32, #tpu.memory_space<vmem>>) dst(%dma_wait3A_156 : memref<128x128xf32, #tpu.memory_space<hbm>>)
    %dma_wait3A_157 = arith.constant 0 : i32
    %dma_wait3A_158 = tpu.memref_slice %arg6[%add3A_148, %dma_wait3A_157] : memref<16384x128xf32, #tpu.memory_space<hbm>> -> memref<128x128xf32, #tpu.memory_space<hbm>>
    %dma_wait3A_159 = arith.constant 0 : i32
    %dma_wait3A_160 = tpu.memref_slice %arg6[%add3A_148, %dma_wait3A_159] : memref<16384x128xf32, #tpu.memory_space<hbm>> -> memref<128x128xf32, #tpu.memory_space<hbm>>
    tpu.wait_dma2 semaphore(%arg17 : memref<!tpu.dma_semaphore, #tpu.memory_space<semaphore_mem>>) src(%arg10 : memref<128x128xf32, #tpu.memory_space<vmem>>) dst(%dma_wait3A_160 : memref<128x128xf32, #tpu.memory_space<hbm>>)
    return
  }
}

module attributes {stable_mosaic.version = 14 : i64} {
  func.func @_mlp_body(%arg0: i32, %arg1: memref<2048x128xf32, #tpu.memory_space<vmem>>, %arg2: memref<128x128xf32, #tpu.memory_space<vmem>>, %arg3: memref<128x1xf32, #tpu.memory_space<vmem>>, %arg4: memref<1x128xf32, #tpu.memory_space<vmem>>, %arg5: memref<1xf32, #tpu.memory_space<smem>>, %arg6: memref<1x2048xf32, #tpu.memory_space<vmem>>) attributes {dimension_semantics = [#tpu.dimension_semantics<arbitrary>], iteration_bounds = array<i64: 8>, scalar_prefetch = 0 : i64, scratch_operands = 0 : i64, tpu.core_type = #tpu.core_type<tc>, window_params = [{transform_indices = @transform_0, window_bounds = array<i64: 2048, 128>}, {pipeline_mode = #tpu.pipeline_mode<synchronous>, transform_indices = @transform_1, window_bounds = array<i64: 128, 128>}, {pipeline_mode = #tpu.pipeline_mode<synchronous>, transform_indices = @transform_2, window_bounds = array<i64: 128, 1>}, {pipeline_mode = #tpu.pipeline_mode<synchronous>, transform_indices = @transform_3, window_bounds = array<i64: 1, 128>}, {transform_indices = @transform_4, window_bounds = array<i64: 1>}, {transform_indices = @transform_5, window_bounds = array<i64: 1, 2048>}]} {
    %get3A = arith.constant 0 : index
    %get3A_0 = arith.constant 0 : index
    %get3A_1 = vector.load %arg1[%get3A, %get3A_0] : memref<2048x128xf32, #tpu.memory_space<vmem>>, vector<2048x128xf32>
    %transpose3A = tpu.transpose %get3A_1, [1, 0] : vector<2048x128xf32> -> vector<128x2048xf32>
    %get3A_2 = arith.constant 0 : index
    %get3A_3 = arith.constant 0 : index
    %get3A_4 = vector.load %arg2[%get3A_2, %get3A_3] : memref<128x128xf32, #tpu.memory_space<vmem>>, vector<128x128xf32>
    %dot_general3A = arith.constant dense<0.000000e+00> : vector<128x2048xf32>
    %dot_general3A_5 = tpu.matmul %get3A_4, %transpose3A, %dot_general3A {dimension_numbers = #tpu.dot_dimension_numbers<[1], [0], [0], [1], [0, 0, 1, 1], [], []>, transpose_lhs_hint = false} : vector<128x128xf32>, vector<128x2048xf32>, vector<128x2048xf32> -> vector<128x2048xf32>
    %get3A_6 = arith.constant 0 : index
    %get3A_7 = arith.constant 0 : index
    %get3A_8 = vector.load %arg3[%get3A_6, %get3A_7] : memref<128x1xf32, #tpu.memory_space<vmem>>, vector<128x1xf32>
    %add3A = vector.broadcast %get3A_8 : vector<128x1xf32> to vector<128x2048xf32>
    %add3A_9 = arith.addf %dot_general3A_5, %add3A : vector<128x2048xf32>
    %max3A = arith.constant 0.000000e+00 : f32
    %max3A_10 = vector.broadcast %max3A : f32 to vector<128x2048xf32>
    %max3A_11 = arith.maximumf %add3A_9, %max3A_10 : vector<128x2048xf32>
    %get3A_12 = arith.constant 0 : index
    %get3A_13 = arith.constant 0 : index
    %get3A_14 = vector.load %arg4[%get3A_12, %get3A_13] : memref<1x128xf32, #tpu.memory_space<vmem>>, vector<1x128xf32>
    %dot_general3A_15 = arith.constant dense<0.000000e+00> : vector<1x2048xf32>
    %dot_general3A_16 = tpu.matmul %get3A_14, %max3A_11, %dot_general3A_15 {dimension_numbers = #tpu.dot_dimension_numbers<[1], [0], [0], [1], [0, 0, 1, 1], [], []>, transpose_lhs_hint = false} : vector<1x128xf32>, vector<128x2048xf32>, vector<1x2048xf32> -> vector<1x2048xf32>
    %get3A_17 = arith.constant 0 : index
    %get3A_18 = memref.load %arg5[%get3A_17] : memref<1xf32, #tpu.memory_space<smem>>
    %add3A_19 = vector.broadcast %get3A_18 : f32 to vector<1x2048xf32>
    %add3A_20 = arith.addf %dot_general3A_16, %add3A_19 : vector<1x2048xf32>
    %neg3A = arith.constant 0.000000e+00 : f32
    %neg3A_21 = vector.broadcast %neg3A : f32 to vector<1x2048xf32>
    %neg3A_22 = arith.subf %neg3A_21, %add3A_20 : vector<1x2048xf32>
    %exp3A = math.exp %neg3A_22 : vector<1x2048xf32>
    %add3A_23 = arith.constant 1.000000e+00 : f32
    %add3A_24 = vector.broadcast %add3A_23 : f32 to vector<1x2048xf32>
    %add3A_25 = arith.addf %add3A_24, %exp3A : vector<1x2048xf32>
    %div3A = arith.constant 1.000000e+00 : f32
    %div3A_26 = vector.broadcast %div3A : f32 to vector<1x2048xf32>
    %div3A_27 = arith.divf %div3A_26, %add3A_25 : vector<1x2048xf32>
    %swap3A = arith.constant 0 : index
    %swap3A_28 = arith.constant 0 : index
    %swap3A_29 = vector.load %arg6[%swap3A, %swap3A_28] : memref<1x2048xf32, #tpu.memory_space<vmem>>, vector<1x2048xf32>
    tpu.vector_store %arg6[%swap3A, %swap3A_28], %div3A_27 {strides = array<i32>} : memref<1x2048xf32, #tpu.memory_space<vmem>>, vector<1x2048xf32>,
    return
  }
  func.func @transform_0(%arg0: i32) -> (i32, i32) {
    %c0_i32 = arith.constant 0 : i32
    %c0_i32_0 = arith.constant 0 : i32
    return %arg0, %c0_i32 : i32, i32
  }
  func.func @transform_1(%arg0: i32) -> (i32, i32) {
    %c0_i32 = arith.constant 0 : i32
    %c0_i32_0 = arith.constant 0 : i32
    %c0_i32_1 = arith.constant 0 : i32
    return %c0_i32, %c0_i32_0 : i32, i32
  }
  func.func @transform_2(%arg0: i32) -> (i32, i32) {
    %c0_i32 = arith.constant 0 : i32
    %c0_i32_0 = arith.constant 0 : i32
    %c0_i32_1 = arith.constant 0 : i32
    return %c0_i32, %c0_i32_0 : i32, i32
  }
  func.func @transform_3(%arg0: i32) -> (i32, i32) {
    %c0_i32 = arith.constant 0 : i32
    %c0_i32_0 = arith.constant 0 : i32
    %c0_i32_1 = arith.constant 0 : i32
    return %c0_i32, %c0_i32_0 : i32, i32
  }
  func.func @transform_4(%arg0: i32) -> i32 {
    %c0_i32 = arith.constant 0 : i32
    %c0_i32_0 = arith.constant 0 : i32
    return %c0_i32 : i32
  }
  func.func @transform_5(%arg0: i32) -> (i32, i32) {
    %c0_i32 = arith.constant 0 : i32
    %c0_i32_0 = arith.constant 0 : i32
    return %c0_i32, %arg0 : i32, i32
  }
}

</mosaic_0001>

<sc_bundles>
// kernel: kernel.4.cloned.1.call-start
scs
__scs_entry_jumppad:
0x0: {  	(pc) =	sbr.rel $0x88, $3  }
0x1: {  	(tag) =	ssettag $0x0;
	lr =	simm.s32 $0x1  }
0x2: {  	[smem:$0x3F99] =	sst lr;
	_ =	strace $0xD0000000  }
0x3: {  	_ = 	snop  }
0x4: {  	_ = 	snop  }
0x5: {  	_ = 	snop  }
0x6: {  	_ = 	snop  }
0x7: {  	_ = 	snop  }
__scs_overlays_trampoline_lowered:
0x8: {  	[smem:$0x3FA8] =	sst s0  }
0x9: {  	[smem:$0x3FA9] =	sst s1  }
0xa: {  	[smem:$0x3FAA] =	sst s2  }
0xb: {  	[smem:$0x3FAB] =	sst s3  }
0xc: {  	[smem:$0x3FAC] =	sst s4  }
0xd: {  	[smem:$0x3FAD] =	sst s5  }
0xe: {  	[smem:$0x3FAE] =	sst s6  }
0xf: {  	[smem:$0x3FAF] =	sst s7  }
0x10: {  	[smem:$0x3FB0] =	sst s8  }
0x11: {  	[smem:$0x3FB1] =	sst s9;
	s0 =	simm.s32 @!p0 $0x0  }
0x12: {  	s1 =	sld [smem:$0x3F97];
	s0 =	simm.s32 @p0 $0x1  }
0x13: {  	[smem:$0x3FB2] =	sst s0;
	s0 =	simm.s32 @!p1 $0x0  }
0x14: {  	s2 =	sld [smem:$0x3F96];
	s0 =	simm.s32 @p1 $0x1  }
0x15: {  	[smem:$0x3FB3] =	sst s0;
	s0 =	simm.s32 @!p2 $0x0  }
0x16: {  	s3 =	sld [smem:$0x3FDB];
	s0 =	simm.s32 @p2 $0x1  }
0x17: {  	s4 =	simm.s32 $0x1BF5;
	[smem:$0x3FB5] =	sst s0  }
0x18: {  	s0 =	sld [smem:$0x3F98];
	_ =	swait.ge [sflag:s4], $0x0  }
0x19: {  	s7 =	sld [smem:$0x3F99]  }
0x1a: {  	s8 =	sadd.s32 $0xFFFFE003, lr  }
0x1b: {  	s9 =	sadd.s32 $0xFFFFFEF7, lr;
	s5 =	simm.s32 $0xFFFFFFFF;
	p2 =	slt.u32 s8, $0xFFFFF086  }
0x1c: {  	p1 =	slt.u32 s9, $0xF7A;
	s5 =	simm.s32 @!p2 $0x0  }
0x1d: {  	s5 =	simm.s32 @p1 $0x1;
	p0 =	seq.s32 s7, s2  }
0x1e: {  	s7 =	smul.u32 @!p0 $0xF7A, s2;
	p2 =	seq.s32 @!p0 s5, $0x0  }
0x1f: {  	s9 =	smul.u32 $0xF7A, s1;
	s8 =	simm.s32 @!p0 $0x1BF5;
	p2 =	por !p2, p0  }
0x20: {  	[sflag:s8] =	ssyncset.s32 @!p0 $0xFFFFF086;
	s6 =	sadd.s32 @!p0 s3, s7;
	s7 =	simm.s32 @!p0 $0x108  }
0x21: {  	s3 =	sadd.s32 s3, s9;
	s6 =	sadd.s32 @!p0 $0x88, s6;
	s7 =	simm.s32 @p2 $0x1082  }
0x22: {  	[simem:s7], [sflag:s8] =	dma.local @!p0 [hbm:s6], $0xF7A  }
0x23: {  	s9 =	sor.u32 $0xD0000000, s2;
	s6 =	simm.s32 $0x108;
	_ =	swait.ge @!p0 [sflag:s8], $0x0  }
0x24: {  	s3 =	sadd.s32 $0x88, s3;
	s6 =	simm.s32 @!p1 $0x1082;
	[sflag:s4] =	ssyncset.s32 $0xFFFFF086  }
0x25: {  	[simem:s6], [sflag:s4] =	dma.local [hbm:s3], $0xF7A  }
0x26: {  	[smem:$0x3F99] =	sst s1;
	(tag) =	ssettag s2;
	_ =	strace s9  }
0x27: {  	s1 =	sld [smem:$0x3FA9]  }
0x28: {  	s2 =	sld [smem:$0x3FAA]  }
0x29: {  	s4 =	sld [smem:$0x3FAC]  }
0x2a: {  	p0 =	seq.s32 s5, $0x0;
	s5 =	sld [smem:$0x3FAD]  }
0x2b: {  	s6 =	sld [smem:$0x3FAE]  }
0x2c: {  	s7 =	sld [smem:$0x3FAF]  }
0x2d: {  	s3 =	simm.s32 $0x108;
	s8 =	sld [smem:$0x3FB0]  }
0x2e: {  	s3 =	simm.s32 @!p0 $0x1082;
	s9 =	sld [smem:$0x3FB1]  }
0x2f: {  	lr =	sadd.s32 s0, s3;
	s0 =	sld [smem:$0x3FA8]  }
0x30: {  	s3 =	sld [smem:$0x3FAB]  }
0x31: {  	[smem:$0x3FB4] =	sst s10  }
0x32: {  	s10 =	sld [smem:$0x3FB2];
	_ =	sdelay $0x3  }
0x33: {  	p0 =	seq.s32 s10, $0x1;
	s10 =	sld [smem:$0x3FB4];
	_ =	sdelay $0x3  }
0x34: {  	[smem:$0x3FB4] =	sst s10  }
0x35: {  	s10 =	sld [smem:$0x3FB3];
	_ =	sdelay $0x3  }
0x36: {  	p1 =	seq.s32 s10, $0x1;
	s10 =	sld [smem:$0x3FB4];
	_ =	sdelay $0x3  }
0x37: {  	[smem:$0x3FB4] =	sst s10  }
0x38: {  	s10 =	sld [smem:$0x3FB5]  }
0x39: {  	_ = 	snop;
	(pc) =	sbr.ind lr, $3  }
0x3a: {  	_ = 	snop  }
0x3b: {  	_ = 	snop  }
0x3c: {  	p2 =	seq.s32 s10, $0x1;
	s10 =	sld [smem:$0x3FB4]  }
0x3d: {  	_ =	shalt  }
0x3e: {  	_ =	shalt  }
0x3f: {  	_ =	shalt  }
0x40: {  	_ =	shalt  }
0x41: {  	_ =	shalt  }
0x42: {  	_ =	shalt  }
0x43: {  	_ =	shalt  }
0x44: {  	_ =	shalt  }
0x45: {  	_ =	shalt  }
0x46: {  	_ =	shalt  }
0x47: {  	_ =	shalt  }
0x48: {  	_ =	shalt  }
0x49: {  	_ =	shalt  }
0x4a: {  	_ =	shalt  }
0x4b: {  	_ =	shalt  }
0x4c: {  	_ =	shalt  }
0x4d: {  	_ =	shalt  }
0x4e: {  	_ =	shalt  }
0x4f: {  	_ =	shalt  }
0x50: {  	_ =	shalt  }
0x51: {  	_ =	shalt  }
0x52: {  	_ =	shalt  }
0x53: {  	_ =	shalt  }
0x54: {  	_ =	shalt  }
0x55: {  	_ =	shalt  }
0x56: {  	_ =	shalt  }
0x57: {  	_ =	shalt  }
0x58: {  	_ =	shalt  }
0x59: {  	_ =	shalt  }
0x5a: {  	_ =	shalt  }
0x5b: {  	_ =	shalt  }
0x5c: {  	_ =	shalt  }
0x5d: {  	_ =	shalt  }
0x5e: {  	_ =	shalt  }
0x5f: {  	_ =	shalt  }
0x60: {  	_ =	shalt  }
0x61: {  	_ =	shalt  }
0x62: {  	_ =	shalt  }
0x63: {  	_ =	shalt  }
0x64: {  	_ =	shalt  }
0x65: {  	_ =	shalt  }
0x66: {  	_ =	shalt  }
0x67: {  	_ =	shalt  }
0x68: {  	_ =	shalt  }
0x69: {  	_ =	shalt  }
0x6a: {  	_ =	shalt  }
0x6b: {  	_ =	shalt  }
0x6c: {  	_ =	shalt  }
0x6d: {  	_ =	shalt  }
0x6e: {  	_ =	shalt  }
0x6f: {  	_ =	shalt  }
0x70: {  	_ =	shalt  }
0x71: {  	_ =	shalt  }
0x72: {  	_ =	shalt  }
0x73: {  	_ =	shalt  }
0x74: {  	_ =	shalt  }
0x75: {  	_ =	shalt  }
0x76: {  	_ =	shalt  }
0x77: {  	_ =	shalt  }
0x78: {  	_ =	shalt  }
0x79: {  	_ =	shalt  }
0x7a: {  	_ =	shalt  }
0x7b: {  	_ =	shalt  }
0x7c: {  	_ =	shalt  }
0x7d: {  	_ =	shalt  }
0x7e: {  	_ =	shalt  }
0x7f: {  	_ =	shalt  }
0x80: {  	_ =	shalt  }
0x81: {  	_ =	shalt  }
0x82: {  	_ =	shalt  }
0x83: {  	_ =	shalt  }
0x84: {  	_ =	shalt  }
0x85: {  	_ =	shalt  }
0x86: {  	_ =	shalt  }
0x87: {  	_ =	shalt  }
.Lfunc_end0:
.L_simem_size_0:
called_computation_lowered:
.L_overlay_start_0:
0x88: {  	s2 =	sld [smem:$0x3FD9]  }
0x89: {  	s3 =	sld [smem:$0x3FFE];
	_ =	sdelay $0x1  }
0x8a: {  	s1 =	srdreg.scid  }
0x8b: {  	s0 =	sand.u32 $0x1, s1  }
0x8c: {  	s17 =	sshll.u32 s0, $0xA;
	s2 =	sadd.s32 s3, s2  }
0x8d: {  	s2 =	sadd.s32 s2, s17  }
0x8e: {  	[smem:$0x3FC0] =	sst s2  }
0x8f: {  	_ = 	snop  }
0x90: {  	s2 =	sld [smem:$0x3FC9]  }
0x91: {  	s18 =	sld [smem:$0x3FC8]  }
0x92: {  	s4 =	sld [smem:$0x3FC7]  }
0x93: {  	s5 =	sld [smem:$0x3FC6];
	(tm) =	ssettm $0x1  }
0x94: {  	s6 =	sld [smem:$0x3FFB];
	_ =	sdelay $0x3  }
0x95: {  	_ =	strace s6  }
0x96: {  	s6 =	sld [smem:$0x3FFC];
	_ =	sdelay $0x3  }
0x97: {  	_ =	strace s6  }
0x98: {  	s6 =	sld [smem:$0x3FFD];
	_ =	sdelay $0x3  }
0x99: {  	_ =	strace s6  }
0x9a: {  	_ =	strace $0x8FFFFFFF  }
0x9b: {  	s19 =	sld [smem:$0x3FDB];
	_ =	sdelay $0x1  }
0x9c: {  	s7 =	simm.s32 $_scs_section_size  }
0x9d: {  	s8 =	simm.s32 $_size__tile_overlayer_lowered;
	s9 =	simm.s32 $_tile_overlayer_lowered  }
0x9e: {  	s22 =	simm.s32 $0x1BFF;
	s21 =	sshll.u32 s9, $0x1;
	s6 =	sadd.s32 s7, s19  }
0x9f: {  	s10 =	simm.s32 $0x0;
	s20 =	sshll.u32 s8, $0x1;
	s8 =	sadd.s32 s21, s6  }
0xa0: {  	[timem:s10], [sflag:s22] =	dma.local [hbm:s8], s20  }
0xa1: {  	_ =	swait.ge [sflag:s22], s20  }
0xa2: {  	s7 =	ssub.s32 $0x0, s20;
	[sflag:s22] =	ssyncset.done $0x0  }
0xa3: {  	[sflag:s22] =	ssyncadd.s32 s7;
	_ =	sdelay $0x1  }
0xa4: {  	s23 =	simm.s32 $0x1B8B  }
0xa5: {  	_ =	swait.ge [sflag:s23], $0x1  }
0xa6: {  	[sflag:s23] =	ssyncset.done $0x0  }
0xa7: {  	s25 =	simm.s32 $0x1B8E;
	s24 =	sld [smem:$0x3FFE];
	[sflag:s23] =	ssyncadd.s32 $0xFFFFFFFF  }
0xa8: {  	s26 =	simm.s32 $execute0_lowered;
	[smem:$0x3FD2] =	sst s25  }
0xa9: {  	s8 =	sshll.u32 s26, $0x1;
	_ =	strace $0x80000046;
	[dreg:$0x1] =	wrdreg $0xFFFFFFFF  }
0xaa: {  	s28 =	simm.s32 $_size_execute0_lowered;
	s6 =	sadd.s32 s6, s8;
	[dreg:$0x0] =	wrdreg $0x0  }
0xab: {  	s8 =	sshll.u32 s28, $0x1;
	[dreg:$0x2] =	wrdreg s6  }
0xac: {  	[dreg:$0x3] =	wrdreg s8  }
0xad: {  	[dreg:$0x4] =	wrdreg $0xC0  }
0xae: {  	_ =	task [dreg:s10], $0x5FFFF  }
0xaf: {  	[dreg:$0x1] =	wrdreg $0xFFFFFFFF  }
0xb0: {  	[dreg:$0x0] =	wrdreg $0x60  }
0xb1: {  	[dreg:$0x2] =	wrdreg s2  }
0xb2: {  	[dreg:$0x3] =	wrdreg s18  }
0xb3: {  	[dreg:$0x4] =	wrdreg s4  }
0xb4: {  	[dreg:$0x5] =	wrdreg s5  }
0xb5: {  	[dreg:$0x6] =	wrdreg s24  }
0xb6: {  	[dreg:$0x7] =	wrdreg $0x9  }
0xb7: {  	_ =	task.clear_ibuf [dreg:s10], $0x8FFFF;
	_ =	strace $0x90000046  }
0xb8: {  	s29 =	simm.s32 $0x9;
	_ =	strace $0x80000048  }
0xb9: {  	_ =	swait.ge [sflag:s29], $0x1  }
0xba: {  	[sflag:s29] =	ssyncadd.s32 $0xFFFFFFFF  }
0xbb: {  	_ =	strace $0x90000048  }
0xbc: {  	_ =	sfence  }
0xbd: {  	s30 =	sld [smem:$0x0];
	_ =	sdelay $0x2  }
0xbe: {  	s31 =	sshll.u32 s1, $0xD;
	s1 =	sshrl.u32 s1, $0x2  }
0xbf: {  	s3 =	sand.u32 $0x4000, s31;
	s1 =	sadd.s32 s1, s30  }
0xc0: {  	s0 =	sor.u32 s3, s0;
	s1 =	sshll.u32 s1, $0x11  }
0xc1: {  	s0 =	sor.u32 s1, s0  }
0xc2: {  	s0 =	sadd.s32 $0x8F2B, s0  }
0xc3: {  	[sflag:s0] =	ssyncadd.remote.s32 $0x1  }
0xc4: {  	_ =	sfence.sel $0xFFFF  }
0xc5: {  	[dreg:$0x0] =	wrdreg $0xFFFFFFFF;
	(pc) =	sbr.abs _section_cstart, $3  }
0xc6: {  	[dreg:$0x1] =	wrdreg $0xFFFFFFFF  }
0xc7: {  	_ =	task.clear_ibuf [dreg:s10], $0x2FFFF;
	_ =	strace $0x9FFFFFFF  }
0xc8: {  	(tm) =	ssettm $0x7FFFFFFF  }
0xc9: {  	_ =	shalt  }
tec
execute0_lowered:
.L_overlay_start_1:
0x0: {  	(tag) =	ssettag $0x1  }
0x1: {  	s5 =	rddreg [dreg:$0x0]  }
0x2: {  	s6 =	rddreg [dreg:$0x1]  }
0x3: {  	s1 =	rddreg [dreg:$0x2]  }
0x4: {  	s3 =	rddreg [dreg:$0x3]  }
0x5: {  	s7 =	rddreg [dreg:$0x4]  }
0x6: {  	s4 =	srdreg.scid;
	s2 =	stileid.u32;
	s12 =	simm.s32 $0x200  }
0x7: {  	s13 =	simm.s32 $0x1;
	s14 =	simm.s32 $0x80;
	s15 =	simm.s32 $0x400  }
0x8: {  	s16 =	simm.s32 $0x8400;
	s17 =	simm.s32 $0x4400;
	s18 =	simm.s32 $0x280  }
0x9: {  	s19 =	simm.s32 $0xC400;
	s20 =	simm.s32 $0x2;
	s21 =	simm.s32 $0x4  }
0xa: {  	s22 =	simm.s32 $0x100;
	s23 =	simm.s32 $0x300;
	s24 =	simm.s32 $0x3  }
0xb: {  	s25 =	simm.s32 $0x5;
	s26 =	simm.s32 $0x180;
	s28 =	simm.s32 $0x380  }
0xc: {  	s29 =	simm.s32 $0x0;
	s8 =	sand.u32 $0x1, s4;
	s4 =	simm.s32 $0x0  }
0xd: {  	s9 =	sshll.u32 s2, $0xA;
	s10 =	sshll.u32 s8, $0x9;
	[smem:$0x7FF] =	sst s4  }
0xe: {  	s8 =	ssub.s32 $0x2, s8;
	s9 =	sor.u32 s10, s9;
	_ =	strace $0x80000047  }
0xf: {  	s11 =	sshrl.u32 s8, $0x1;
	s10 =	sshll.u32 s9, $0x4;
	s31 =	sshrl.u32 s9, $0x3  }
0x10: {  	s11 =	ssub.s32 s8, s11;
	s10 =	sadd.s32 s10, s7;
	s5 =	sadd.s32 s5, s31  }
0x11: {  	s6 =	sadd.s32 s6, s31;
	s11 =	smax.u32 s11, $0x1;
	s7 =	sadd.s32 $0xC00, s10  }
0x12: {  	s8 =	sadd.s32 $0x1400, s10;
	s9 =	sadd.s32 $0x1C00, s10;
	s10 =	sadd.s32 $0x2400, s10  }
.LBB2_1:
0x13: {  	[tilespmem:s4], [sflag:$0x1] =	stream.linear.gather [hbm4b:s5+s4], $0x200, $0x38;
	[tilespmem:$0x10400] =	vst v63  }
0x14: {  	_ = 	snop  }
0x15: {  	[tilespmem:s12], [sflag:$0x1] =	stream.linear.gather [hbm4b:s6+s4], $0x200, $0x38;
	[tilespmem:$0x10400] =	vst v63  }
0x16: {  	_ =	swait.ge [sflag:s13], $0x200  }
0x17: {  	[sflag:s13] =	ssyncset.done $0x0  }
0x18: {  	[sflag:s13] =	ssyncadd.s32 $0xFFFFFE00  }
0x19: {  	_ =	swait.ge [sflag:s13], $0x200  }
0x1a: {  	[sflag:s13] =	ssyncset.done $0x0  }
0x1b: {  	[sflag:s13] =	ssyncadd.s32 $0xFFFFFE00  }
0x1c: {  	[tilespmem:s15], [sflag:$0x2] =	stream.indirect.gather [hbm4b:s1+s14], $0x80, s4, s14, $0xb8;
	[tilespmem:$0x10400] =	vst v63  }
0x1d: {  	_ = 	snop  }
0x1e: {  	[tilespmem:s16], [sflag:$0x2] =	stream.indirect.gather [hbm4b:s3+s14], $0x80, s12, s14, $0xb8;
	[tilespmem:$0x10400] =	vst v63  }
0x1f: {  	_ = 	snop  }
0x20: {  	[tilespmem:s17], [sflag:$0x3] =	stream.indirect.gather [hbm4b:s1+s14], $0x80, s14, s14, $0xb8;
	[tilespmem:$0x10400] =	vst v63  }
0x21: {  	_ = 	snop  }
0x22: {  	[tilespmem:s19], [sflag:$0x3] =	stream.indirect.gather [hbm4b:s3+s14], $0x80, s18, s14, $0xb8;
	[tilespmem:$0x10400] =	vst v63  }
0x23: {  	_ =	swait.ge [sflag:s20], $0x4000  }
0x24: {  	[sflag:s20] =	ssyncset.done $0x0  }
0x25: {  	[sflag:s20] =	ssyncadd.s32 $0xFFFFC000  }
0x26: {  	_ =	swait.ge [sflag:s20], $0x4000  }
0x27: {  	[sflag:s20] =	ssyncset.done $0x0  }
0x28: {  	s30 =	simm.s32 $0x0;
	[sflag:s20] =	ssyncadd.s32 $0xFFFFC000  }
0x29: {  	v7 =	vld [tilespmem:s30+$0x8400]  }
0x2a: {  	v11 =	vld [tilespmem:s30+$0x8410]  }
0x2b: {  	v5 =	vld [tilespmem:s30+$0x8420]  }
0x2c: {  	v4 =	vld [tilespmem:s30+$0x8430]  }
0x2d: {  	v3 =	vld [tilespmem:s30+$0x8440]  }
0x2e: {  	v2 =	vld [tilespmem:s30+$0x8450]  }
0x2f: {  	v1 =	vld [tilespmem:s30+$0x8460]  }
0x30: {  	v0 =	vld [tilespmem:s30+$0x8470]  }
0x31: {  	v12 =	vld [tilespmem:s30+$0x400]  }
0x32: {  	v13 =	vld [tilespmem:s30+$0x410]  }
0x33: {  	v10 =	vld [tilespmem:s30+$0x420]  }
0x34: {  	v9 =	vld [tilespmem:s30+$0x430]  }
0x35: {  	v8 =	vld [tilespmem:s30+$0x440]  }
0x36: {  	v6 =	vld [tilespmem:s30+$0x450];
	v12 =	vmul.f32 v7, v12  }
0x37: {  	s31 =	simm.s32 $0x200;
	v11 =	vmul.f32 v11, v13;
	v7 =	vld [tilespmem:s30+$0x460]  }
.LBB2_2:
0x38: {  	s0 =	sshra.s32 s31, $0x2;
	p0 =	sne.s32 s31, $0xFE00;
	[tilespmem:s30+$0x400] =	vst v12;
	v5 =	vmul.f32 v5, v10;
	v10 =	vld [tilespmem:s30+$0x470]  }
0x39: {  	v12 =	vld [tilespmem:s0+$0x8400];
	[tilespmem:s30+$0x410] =	vst v11;
	v4 =	vmul.f32 v4, v9  }
0x3a: {  	v11 =	vld [tilespmem:s0+$0x8410];
	[tilespmem:s30+$0x420] =	vst v5;
	v3 =	vmul.f32 v3, v8  }
0x3b: {  	v5 =	vld [tilespmem:s0+$0x8420];
	[tilespmem:s30+$0x430] =	vst v4;
	v2 =	vmul.f32 v2, v6  }
0x3c: {  	v4 =	vld [tilespmem:s0+$0x8430];
	[tilespmem:s30+$0x440] =	vst v3;
	v1 =	vmul.f32 v1, v7  }
0x3d: {  	v3 =	vld [tilespmem:s0+$0x8440];
	[tilespmem:s30+$0x450] =	vst v2;
	v0 =	vmul.f32 v0, v10  }
0x3e: {  	v2 =	vld [tilespmem:s0+$0x8450];
	[tilespmem:s30+$0x460] =	vst v1  }
0x3f: {  	v1 =	vld [tilespmem:s0+$0x8460];
	[tilespmem:s30+$0x470] =	vst v0;
	s30 =	smov.u32 s0  }
0x40: {  	v0 =	vld [tilespmem:s30+$0x8470]  }
0x41: {  	v6 =	vld [tilespmem:s30+$0x400]  }
0x42: {  	v7 =	vld [tilespmem:s30+$0x410]  }
.Ltmp0:
0x43: {  	v10 =	vld [tilespmem:s30+$0x420];
	(pc) =	sbr.rel @p0 .LBB2_2-.Ltmp0, $4  }
0x44: {  	v9 =	vld [tilespmem:s30+$0x430]  }
0x45: {  	v8 =	vld [tilespmem:s30+$0x440]  }
0x46: {  	v12 =	vmul.f32 v12, v6;
	v6 =	vld [tilespmem:s30+$0x450]  }
0x47: {  	s31 =	sadd.s32 $0x200, s31;
	v11 =	vmul.f32 v11, v7;
	v7 =	vld [tilespmem:s30+$0x460]  }
0x48: {  	[tilespmem:s30+$0x400] =	vst v12;
	v5 =	vmul.f32 v5, v10;
	v10 =	vld [tilespmem:s30+$0x470]  }
0x49: {  	[tilespmem:s30+$0x410] =	vst v11;
	v4 =	vmul.f32 v4, v9  }
0x4a: {  	[tilespmem:s30+$0x420] =	vst v5;
	v3 =	vmul.f32 v3, v8  }
0x4b: {  	[tilespmem:s30+$0x430] =	vst v4;
	v2 =	vmul.f32 v2, v6  }
0x4c: {  	[tilespmem:s30+$0x440] =	vst v3;
	v1 =	vmul.f32 v1, v7  }
0x4d: {  	[tilespmem:s30+$0x450] =	vst v2;
	v0 =	vmul.f32 v0, v10  }
0x4e: {  	[tilespmem:s30+$0x460] =	vst v1  }
0x4f: {  	s0 =	simm.s32 $0x0;
	[tilespmem:s30+$0x470] =	vst v0  }
0x50: {  	[hbm4b:s7+s0] =	stream.linear.scatter [tilespmem:s15], [sflag:$0x4], $0x4000, $0x38;
	[tilespmem:$0x10400] =	vst v63  }
0x51: {  	_ =	swait.ge [sflag:s21], $0x4000  }
0x52: {  	[sflag:s21] =	ssyncset.done $0x0  }
0x53: {  	[sflag:s21] =	ssyncadd.s32 $0xFFFFC000  }
0x54: {  	[tilespmem:s15], [sflag:$0x2] =	stream.indirect.gather [hbm4b:s1+s14], $0x80, s22, s14, $0xb8;
	[tilespmem:$0x10400] =	vst v63  }
0x55: {  	_ = 	snop  }
0x56: {  	[tilespmem:s16], [sflag:$0x2] =	stream.indirect.gather [hbm4b:s3+s14], $0x80, s23, s14, $0xb8;
	[tilespmem:$0x10400] =	vst v63  }
0x57: {  	_ =	swait.ge [sflag:s24], $0x4000  }
0x58: {  	[sflag:s24] =	ssyncset.done $0x0  }
0x59: {  	[sflag:s24] =	ssyncadd.s32 $0xFFFFC000  }
0x5a: {  	_ =	swait.ge [sflag:s24], $0x4000  }
0x5b: {  	[sflag:s24] =	ssyncset.done $0x0  }
0x5c: {  	s30 =	simm.s32 $0x0;
	[sflag:s24] =	ssyncadd.s32 $0xFFFFC000  }
0x5d: {  	v7 =	vld [tilespmem:s30+$0xC400]  }
0x5e: {  	v11 =	vld [tilespmem:s30+$0xC410]  }
0x5f: {  	v5 =	vld [tilespmem:s30+$0xC420]  }
0x60: {  	v4 =	vld [tilespmem:s30+$0xC430]  }
0x61: {  	v3 =	vld [tilespmem:s30+$0xC440]  }
0x62: {  	v2 =	vld [tilespmem:s30+$0xC450]  }
0x63: {  	v1 =	vld [tilespmem:s30+$0xC460]  }
0x64: {  	v0 =	vld [tilespmem:s30+$0xC470]  }
0x65: {  	v12 =	vld [tilespmem:s30+$0x4400]  }
0x66: {  	v13 =	vld [tilespmem:s30+$0x4410]  }
0x67: {  	v10 =	vld [tilespmem:s30+$0x4420]  }
0x68: {  	v9 =	vld [tilespmem:s30+$0x4430]  }
0x69: {  	v8 =	vld [tilespmem:s30+$0x4440]  }
0x6a: {  	v6 =	vld [tilespmem:s30+$0x4450];
	v12 =	vmul.f32 v7, v12  }
0x6b: {  	s31 =	simm.s32 $0x200;
	v11 =	vmul.f32 v11, v13;
	v7 =	vld [tilespmem:s30+$0x4460]  }
.LBB2_4:
0x6c: {  	s0 =	sshra.s32 s31, $0x2;
	p0 =	sne.s32 s31, $0xFE00;
	[tilespmem:s30+$0x4400] =	vst v12;
	v5 =	vmul.f32 v5, v10;
	v10 =	vld [tilespmem:s30+$0x4470]  }
0x6d: {  	v12 =	vld [tilespmem:s0+$0xC400];
	[tilespmem:s30+$0x4410] =	vst v11;
	v4 =	vmul.f32 v4, v9  }
0x6e: {  	v11 =	vld [tilespmem:s0+$0xC410];
	[tilespmem:s30+$0x4420] =	vst v5;
	v3 =	vmul.f32 v3, v8  }
0x6f: {  	v5 =	vld [tilespmem:s0+$0xC420];
	[tilespmem:s30+$0x4430] =	vst v4;
	v2 =	vmul.f32 v2, v6  }
0x70: {  	v4 =	vld [tilespmem:s0+$0xC430];
	[tilespmem:s30+$0x4440] =	vst v3;
	v1 =	vmul.f32 v1, v7  }
0x71: {  	v3 =	vld [tilespmem:s0+$0xC440];
	[tilespmem:s30+$0x4450] =	vst v2;
	v0 =	vmul.f32 v0, v10  }
0x72: {  	v2 =	vld [tilespmem:s0+$0xC450];
	[tilespmem:s30+$0x4460] =	vst v1  }
0x73: {  	v1 =	vld [tilespmem:s0+$0xC460];
	[tilespmem:s30+$0x4470] =	vst v0;
	s30 =	smov.u32 s0  }
0x74: {  	v0 =	vld [tilespmem:s30+$0xC470]  }
0x75: {  	v6 =	vld [tilespmem:s30+$0x4400]  }
0x76: {  	v7 =	vld [tilespmem:s30+$0x4410]  }
.Ltmp1:
0x77: {  	v10 =	vld [tilespmem:s30+$0x4420];
	(pc) =	sbr.rel @p0 .LBB2_4-.Ltmp1, $4  }
0x78: {  	v9 =	vld [tilespmem:s30+$0x4430]  }
0x79: {  	v8 =	vld [tilespmem:s30+$0x4440]  }
0x7a: {  	v12 =	vmul.f32 v12, v6;
	v6 =	vld [tilespmem:s30+$0x4450]  }
0x7b: {  	s31 =	sadd.s32 $0x200, s31;
	v11 =	vmul.f32 v11, v7;
	v7 =	vld [tilespmem:s30+$0x4460]  }
0x7c: {  	[tilespmem:s30+$0x4400] =	vst v12;
	v5 =	vmul.f32 v5, v10;
	v10 =	vld [tilespmem:s30+$0x4470]  }
0x7d: {  	[tilespmem:s30+$0x4410] =	vst v11;
	v4 =	vmul.f32 v4, v9  }
0x7e: {  	[tilespmem:s30+$0x4420] =	vst v5;
	v3 =	vmul.f32 v3, v8  }
0x7f: {  	[tilespmem:s30+$0x4430] =	vst v4;
	v2 =	vmul.f32 v2, v6  }
0x80: {  	[tilespmem:s30+$0x4440] =	vst v3;
	v1 =	vmul.f32 v1, v7  }
0x81: {  	[tilespmem:s30+$0x4450] =	vst v2;
	v0 =	vmul.f32 v0, v10  }
0x82: {  	[tilespmem:s30+$0x4460] =	vst v1  }
0x83: {  	s0 =	simm.s32 $0x0;
	[tilespmem:s30+$0x4470] =	vst v0  }
0x84: {  	[hbm4b:s8+s0] =	stream.linear.scatter [tilespmem:s17], [sflag:$0x5], $0x4000, $0x38;
	[tilespmem:$0x10400] =	vst v63  }
0x85: {  	_ =	swait.ge [sflag:s25], $0x4000  }
0x86: {  	[sflag:s25] =	ssyncset.done $0x0  }
0x87: {  	[sflag:s25] =	ssyncadd.s32 $0xFFFFC000  }
0x88: {  	[tilespmem:s17], [sflag:$0x3] =	stream.indirect.gather [hbm4b:s1+s14], $0x80, s26, s14, $0xb8;
	[tilespmem:$0x10400] =	vst v63  }
0x89: {  	_ = 	snop  }
0x8a: {  	[tilespmem:s19], [sflag:$0x3] =	stream.indirect.gather [hbm4b:s3+s14], $0x80, s28, s14, $0xb8;
	[tilespmem:$0x10400] =	vst v63  }
0x8b: {  	_ =	swait.ge [sflag:s20], $0x4000  }
0x8c: {  	[sflag:s20] =	ssyncset.done $0x0  }
0x8d: {  	[sflag:s20] =	ssyncadd.s32 $0xFFFFC000  }
0x8e: {  	_ =	swait.ge [sflag:s20], $0x4000  }
0x8f: {  	[sflag:s20] =	ssyncset.done $0x0  }
0x90: {  	s30 =	simm.s32 $0x0;
	[sflag:s20] =	ssyncadd.s32 $0xFFFFC000  }
0x91: {  	v7 =	vld [tilespmem:s30+$0x8400]  }
0x92: {  	v11 =	vld [tilespmem:s30+$0x8410]  }
0x93: {  	v5 =	vld [tilespmem:s30+$0x8420]  }
0x94: {  	v4 =	vld [tilespmem:s30+$0x8430]  }
0x95: {  	v3 =	vld [tilespmem:s30+$0x8440]  }
0x96: {  	v2 =	vld [tilespmem:s30+$0x8450]  }
0x97: {  	v1 =	vld [tilespmem:s30+$0x8460]  }
0x98: {  	v0 =	vld [tilespmem:s30+$0x8470]  }
0x99: {  	v12 =	vld [tilespmem:s30+$0x400]  }
0x9a: {  	v13 =	vld [tilespmem:s30+$0x410]  }
0x9b: {  	v10 =	vld [tilespmem:s30+$0x420]  }
0x9c: {  	v9 =	vld [tilespmem:s30+$0x430]  }
0x9d: {  	v8 =	vld [tilespmem:s30+$0x440]  }
0x9e: {  	v6 =	vld [tilespmem:s30+$0x450];
	v12 =	vmul.f32 v7, v12  }
0x9f: {  	s31 =	simm.s32 $0x200;
	v11 =	vmul.f32 v11, v13;
	v7 =	vld [tilespmem:s30+$0x460]  }
.LBB2_6:
0xa0: {  	s0 =	sshra.s32 s31, $0x2;
	p0 =	sne.s32 s31, $0xFE00;
	[tilespmem:s30+$0x400] =	vst v12;
	v5 =	vmul.f32 v5, v10;
	v10 =	vld [tilespmem:s30+$0x470]  }
0xa1: {  	v12 =	vld [tilespmem:s0+$0x8400];
	[tilespmem:s30+$0x410] =	vst v11;
	v4 =	vmul.f32 v4, v9  }
0xa2: {  	v11 =	vld [tilespmem:s0+$0x8410];
	[tilespmem:s30+$0x420] =	vst v5;
	v3 =	vmul.f32 v3, v8  }
0xa3: {  	v5 =	vld [tilespmem:s0+$0x8420];
	[tilespmem:s30+$0x430] =	vst v4;
	v2 =	vmul.f32 v2, v6  }
0xa4: {  	v4 =	vld [tilespmem:s0+$0x8430];
	[tilespmem:s30+$0x440] =	vst v3;
	v1 =	vmul.f32 v1, v7  }
0xa5: {  	v3 =	vld [tilespmem:s0+$0x8440];
	[tilespmem:s30+$0x450] =	vst v2;
	v0 =	vmul.f32 v0, v10  }
0xa6: {  	v2 =	vld [tilespmem:s0+$0x8450];
	[tilespmem:s30+$0x460] =	vst v1  }
0xa7: {  	v1 =	vld [tilespmem:s0+$0x8460];
	[tilespmem:s30+$0x470] =	vst v0;
	s30 =	smov.u32 s0  }
0xa8: {  	v0 =	vld [tilespmem:s30+$0x8470]  }
0xa9: {  	v6 =	vld [tilespmem:s30+$0x400]  }
0xaa: {  	v7 =	vld [tilespmem:s30+$0x410]  }
.Ltmp2:
0xab: {  	v10 =	vld [tilespmem:s30+$0x420];
	(pc) =	sbr.rel @p0 .LBB2_6-.Ltmp2, $4  }
0xac: {  	v9 =	vld [tilespmem:s30+$0x430]  }
0xad: {  	v8 =	vld [tilespmem:s30+$0x440]  }
0xae: {  	v12 =	vmul.f32 v12, v6;
	v6 =	vld [tilespmem:s30+$0x450]  }
0xaf: {  	s31 =	sadd.s32 $0x200, s31;
	v11 =	vmul.f32 v11, v7;
	v7 =	vld [tilespmem:s30+$0x460]  }
0xb0: {  	[tilespmem:s30+$0x400] =	vst v12;
	v5 =	vmul.f32 v5, v10;
	v10 =	vld [tilespmem:s30+$0x470]  }
0xb1: {  	[tilespmem:s30+$0x410] =	vst v11;
	v4 =	vmul.f32 v4, v9  }
0xb2: {  	[tilespmem:s30+$0x420] =	vst v5;
	v3 =	vmul.f32 v3, v8  }
0xb3: {  	[tilespmem:s30+$0x430] =	vst v4;
	v2 =	vmul.f32 v2, v6  }
0xb4: {  	[tilespmem:s30+$0x440] =	vst v3;
	v1 =	vmul.f32 v1, v7  }
0xb5: {  	[tilespmem:s30+$0x450] =	vst v2;
	v0 =	vmul.f32 v0, v10  }
0xb6: {  	[tilespmem:s30+$0x460] =	vst v1  }
0xb7: {  	s0 =	simm.s32 $0x0;
	[tilespmem:s30+$0x470] =	vst v0  }
0xb8: {  	[hbm4b:s9+s0] =	stream.linear.scatter [tilespmem:s15], [sflag:$0x4], $0x4000, $0x38;
	[tilespmem:$0x10400] =	vst v63  }
0xb9: {  	_ =	swait.ge [sflag:s24], $0x4000  }
0xba: {  	[sflag:s24] =	ssyncset.done $0x0  }
0xbb: {  	[sflag:s24] =	ssyncadd.s32 $0xFFFFC000  }
0xbc: {  	_ =	swait.ge [sflag:s24], $0x4000  }
0xbd: {  	[sflag:s24] =	ssyncset.done $0x0  }
0xbe: {  	s30 =	simm.s32 $0x0;
	[sflag:s24] =	ssyncadd.s32 $0xFFFFC000  }
0xbf: {  	v7 =	vld [tilespmem:s30+$0xC400]  }
0xc0: {  	v11 =	vld [tilespmem:s30+$0xC410]  }
0xc1: {  	v5 =	vld [tilespmem:s30+$0xC420]  }
0xc2: {  	v4 =	vld [tilespmem:s30+$0xC430]  }
0xc3: {  	v3 =	vld [tilespmem:s30+$0xC440]  }
0xc4: {  	v2 =	vld [tilespmem:s30+$0xC450]  }
0xc5: {  	v1 =	vld [tilespmem:s30+$0xC460]  }
0xc6: {  	v0 =	vld [tilespmem:s30+$0xC470]  }
0xc7: {  	v12 =	vld [tilespmem:s30+$0x4400]  }
0xc8: {  	v13 =	vld [tilespmem:s30+$0x4410]  }
0xc9: {  	v10 =	vld [tilespmem:s30+$0x4420]  }
0xca: {  	v9 =	vld [tilespmem:s30+$0x4430]  }
0xcb: {  	v8 =	vld [tilespmem:s30+$0x4440]  }
0xcc: {  	v6 =	vld [tilespmem:s30+$0x4450];
	v12 =	vmul.f32 v7, v12  }
0xcd: {  	s31 =	simm.s32 $0x200;
	v11 =	vmul.f32 v11, v13;
	v7 =	vld [tilespmem:s30+$0x4460]  }
.LBB2_8:
0xce: {  	s0 =	sshra.s32 s31, $0x2;
	p0 =	sne.s32 s31, $0xFE00;
	[tilespmem:s30+$0x4400] =	vst v12;
	v5 =	vmul.f32 v5, v10;
	v10 =	vld [tilespmem:s30+$0x4470]  }
0xcf: {  	v12 =	vld [tilespmem:s0+$0xC400];
	[tilespmem:s30+$0x4410] =	vst v11;
	v4 =	vmul.f32 v4, v9  }
0xd0: {  	v11 =	vld [tilespmem:s0+$0xC410];
	[tilespmem:s30+$0x4420] =	vst v5;
	v3 =	vmul.f32 v3, v8  }
0xd1: {  	v5 =	vld [tilespmem:s0+$0xC420];
	[tilespmem:s30+$0x4430] =	vst v4;
	v2 =	vmul.f32 v2, v6  }
0xd2: {  	v4 =	vld [tilespmem:s0+$0xC430];
	[tilespmem:s30+$0x4440] =	vst v3;
	v1 =	vmul.f32 v1, v7  }
0xd3: {  	v3 =	vld [tilespmem:s0+$0xC440];
	[tilespmem:s30+$0x4450] =	vst v2;
	v0 =	vmul.f32 v0, v10  }
0xd4: {  	v2 =	vld [tilespmem:s0+$0xC450];
	[tilespmem:s30+$0x4460] =	vst v1  }
0xd5: {  	v1 =	vld [tilespmem:s0+$0xC460];
	[tilespmem:s30+$0x4470] =	vst v0;
	s30 =	smov.u32 s0  }
0xd6: {  	v0 =	vld [tilespmem:s30+$0xC470]  }
0xd7: {  	v6 =	vld [tilespmem:s30+$0x4400]  }
0xd8: {  	v7 =	vld [tilespmem:s30+$0x4410]  }
.Ltmp3:
0xd9: {  	v10 =	vld [tilespmem:s30+$0x4420];
	(pc) =	sbr.rel @p0 .LBB2_8-.Ltmp3, $4  }
0xda: {  	v9 =	vld [tilespmem:s30+$0x4430]  }
0xdb: {  	v8 =	vld [tilespmem:s30+$0x4440]  }
0xdc: {  	v12 =	vmul.f32 v12, v6;
	v6 =	vld [tilespmem:s30+$0x4450]  }
0xdd: {  	s31 =	sadd.s32 $0x200, s31;
	v11 =	vmul.f32 v11, v7;
	v7 =	vld [tilespmem:s30+$0x4460]  }
0xde: {  	[tilespmem:s30+$0x4400] =	vst v12;
	v5 =	vmul.f32 v5, v10;
	v63 =	vld [tilespmem:s30+$0x4470]  }
0xdf: {  	[tilespmem:s30+$0x4410] =	vst v11;
	v4 =	vmul.f32 v4, v9  }
0xe0: {  	[tilespmem:s30+$0x4420] =	vst v5;
	v3 =	vmul.f32 v3, v8  }
0xe1: {  	[tilespmem:s30+$0x4430] =	vst v4;
	v2 =	vmul.f32 v2, v6  }
0xe2: {  	[tilespmem:s30+$0x4440] =	vst v3;
	v1 =	vmul.f32 v1, v7  }
0xe3: {  	[tilespmem:s30+$0x4450] =	vst v2;
	v0 =	vmul.f32 v0, v63  }
0xe4: {  	[tilespmem:s30+$0x4460] =	vst v1  }
0xe5: {  	s29 =	sadd.s32 $0x1, s29;
	[tilespmem:s30+$0x4470] =	vst v0  }
0xe6: {  	[hbm4b:s10+s4] =	stream.linear.scatter [tilespmem:s17], [sflag:$0x5], $0x4000, $0x38;
	[tilespmem:$0x10400] =	vst v63  }
0xe7: {  	p0 =	sne.s32 s29, s11;
	_ =	swait.ge [sflag:s21], $0x4000  }
.Ltmp4:
0xe8: {  	[sflag:s21] =	ssyncset.done $0x0;
	(pc) =	sbr.rel @p0 .LBB2_1-.Ltmp4, $4  }
0xe9: {  	[sflag:s21] =	ssyncadd.s32 $0xFFFFC000  }
0xea: {  	_ =	swait.ge [sflag:s25], $0x4000  }
0xeb: {  	[sflag:s25] =	ssyncset.done $0x0  }
0xec: {  	[sflag:s25] =	ssyncadd.s32 $0xFFFFC000  }
0xed: {  	_ =	sfence.sel $0x180000  }
0xee: {  	[bflag:$0x0] =	sbarrier.arrive $0xFFFF  }
0xef: {  	_ =	strace $0x90000047  }
0xf0: {  	[bflag:$0x2] =	sbarrier.arrive $0xFFFF  }
0xf1: {  	p0 =	sne.s32 s2, $0x0;
	s0 =	rddreg [dreg:$0x5]  }
0xf2: {  	s0 =	sadd.s32 @!p0 $0x100000, s0  }
0xf3: {  	[sflag:s0] =	ssyncadd.tile.s32 @!p0 $0x1;
	_ =	shalt  }
.Lfunc_end2:
_tile_overlayer_lowered:
.L_overlay_start_2:
0xf4: {  	(tag) =	ssettag $0x2  }
0xf5: {  	s0 =	rddreg [dreg:$0x0];
	s2 =	stileid.u32  }
0xf6: {  	s1 =	rddreg [dreg:$0x1];
	p0 =	sne.s32 s2, $0x0  }
0xf7: {  	s3 =	rddreg [dreg:$0x2];
	[bflag:$0x3] =	sbarrier.arrive $0xFFFF;
	s2 =	simm.s32 @!p0 $0x1C06  }
0xf8: {  	[timem:s3], [sflag:s2] =	dma.local @!p0 [hbm:s0], s1  }
0xf9: {  	s0 =	simm.s32 @!p0 $0x6  }
0xfa: {  	_ =	swait.ge @!p0 [sflag:s0], s1  }
0xfb: {  	s1 =	ssub.s32 @!p0 $0x0, s1;
	[sflag:s0] =	ssyncset.done @!p0 $0x0  }
0xfc: {  	[sflag:s0] =	ssyncadd.s32 @!p0 s1  }
0xfd: {  	[bflag:$0x3] =	sbarrier.arrive $0xFFFF  }
0xfe: {  	_ =	shalt  }

</sc_bundles>
